<compile_context>
chip_gen: v7x
topology: tpu7x:2x2x1
jax: 0.10.2.dev20260603
libtpu: 0.0.44.dev20260713+nightly
codegen_flags: <defaults>
</compile_context>

<pallas_src>
import functools

import jax
import jax.numpy as jnp
from jax import lax
from jax.experimental import pallas as pl
from jax.experimental.pallas import tpu as pltpu
from jax.experimental.pallas import tpu_sc as plsc

MAX_ROWS = 8192
EMB = 1024
NC = 2
NS = 16
NW = NC * NS
B_PER_W = MAX_ROWS // NW
CHUNK = 64
N_CHUNKS = B_PER_W // CHUNK

_MESH = plsc.VectorSubcoreMesh(core_axis_name="c", subcore_axis_name="s")
_OUT = jax.ShapeDtypeStruct((MAX_ROWS, EMB), jnp.float32)


def _worker_id():
    return lax.axis_index("s") * NC + lax.axis_index("c")


CCH = 32
N_ALL = B_PER_W // CCH


def _copy_body(table_hbm, out_hbm, shared, tbuf0, tbuf1,
               sg0, sg1, sw0, sw1, tg0, tg1, tw0, tw1):
    sid = lax.axis_index("s")
    base = _worker_id() * B_PER_W

    paths = [
        dict(chunks=[0, 2, 4, 6],
             bufs=(shared.at[sid, 0], shared.at[sid, 1]),
             gsems=(sg0, sg1), wsems=(sw0, sw1)),
        dict(chunks=[1, 3, 5, 7],
             bufs=(tbuf0, tbuf1),
             gsems=(tg0, tg1), wsems=(tw0, tw1)),
    ]

    def read(p, k):
        g = p["chunks"][k]
        return pltpu.async_copy(
            table_hbm.at[pl.ds(base + g * CCH, CCH)], p["bufs"][k % 2],
            p["gsems"][k % 2],
        )

    def write(p, k):
        g = p["chunks"][k]
        return pltpu.async_copy(
            p["bufs"][k % 2], out_hbm.at[pl.ds(base + g * CCH, CCH)],
            p["wsems"][k % 2],
        )

    n = 4
    for p in paths:
        p["reads"] = [None] * n
        p["writes"] = [None] * n
        p["reads"][0] = read(p, 0)
    for k in range(n):
        for p in paths:
            p["reads"][k].wait()
            if k + 1 < n:
                if k - 1 >= 0:
                    p["writes"][k - 1].wait()
                p["reads"][k + 1] = read(p, k + 1)
            p["writes"][k] = write(p, k)
    for p in paths:
        p["writes"][n - 2].wait()
        p["writes"][n - 1].wait()


_sc_copy = functools.partial(
    pl.kernel,
    out_type=_OUT,
    mesh=_MESH,
    scratch_types=[
        pltpu.VMEM_SHARED((NS, 2, CCH, EMB), jnp.float32),
        pltpu.VMEM((CCH, EMB), jnp.float32),
        pltpu.VMEM((CCH, EMB), jnp.float32),
        pltpu.SemaphoreType.DMA,
        pltpu.SemaphoreType.DMA,
        pltpu.SemaphoreType.DMA,
        pltpu.SemaphoreType.DMA,
        pltpu.SemaphoreType.DMA,
        pltpu.SemaphoreType.DMA,
        pltpu.SemaphoreType.DMA,
        pltpu.SemaphoreType.DMA,
    ],
)(_copy_body)


def _gather_body(table_hbm, idx_hbm, out_hbm, idx_v, buf_v, sem):
    base = _worker_id() * B_PER_W
    pltpu.sync_copy(idx_hbm.at[pl.ds(base, B_PER_W)], idx_v)

    def chunk(g, _):
        pltpu.async_copy(
            table_hbm.at[idx_v.at[pl.ds(g * CHUNK, CHUNK)]], buf_v, sem
        ).wait()
        pltpu.sync_copy(buf_v, out_hbm.at[pl.ds(base + g * CHUNK, CHUNK)])
        return ()

    lax.fori_loop(0, N_CHUNKS, chunk, (), unroll=False)


_sc_gather = functools.partial(
    pl.kernel,
    out_type=_OUT,
    mesh=_MESH,
    scratch_types=[
        pltpu.VMEM((B_PER_W,), jnp.int32),
        pltpu.VMEM((CHUNK, EMB), jnp.float32),
        pltpu.SemaphoreType.DMA,
    ],
)(_gather_body)


def kernel(seq_len, table):
    n = table.shape[0]
    offset = jnp.asarray(seq_len, dtype=jnp.int32) - jnp.int32(n)
    idx = jnp.clip(jnp.arange(n, dtype=jnp.int32) + offset, 0, n - 1)
    return lax.cond(
        offset == 0,
        lambda t, i: _sc_copy(t),
        lambda t, i: _sc_gather(t, i),
        table, idx,
    )

# --- scband reference (transcript-rebuilt; emitter-appended) ---
"""Pipeline reference for scband-positional-embeddings-44074954391742 (READ-ONLY COPY).

The authoritative reference and input builder live on the scoring server;
editing this copy changes nothing except your own understanding.
"""

import jax, jax.numpy as jnp
import numpy as np

MAX_SEQ_LEN = 8192
EMB_SIZE = 1024

def setup_inputs(seed: int = 0) -> dict:
    key = jax.random.key(seed)
    k_table, = jax.random.split(key, 1)
    table = jax.random.normal(k_table, (MAX_SEQ_LEN, EMB_SIZE), dtype=jnp.float32)
    return {"seq_len": 8192, "table": table}

def reference(seq_len, table):
    # forward: input_indices = arange(seq_len); embeds = embedding(input_indices)
    n = table.shape[0]
    offset = jnp.asarray(seq_len, dtype=jnp.int32) - jnp.int32(n)
    input_indices = jnp.arange(n, dtype=jnp.int32) + offset
    embeds = jnp.take(table, input_indices, axis=0)
    return embeds

if __name__ == "__main__":
    import jax
    _d = setup_inputs()
    print(jax.jit(kernel)(*tuple(_d.values())))

</pallas_src>

<mosaic_0001>
#map = affine_map<(d0, d1) -> (0, 0)>
module attributes {stable_mosaic.version = 14 : i64} {
  func.func @_copy_body(%arg0: i32, %arg1: i32, %arg2: memref<8192x1024xf32, #tpu.memory_space<hbm>>, %arg3: memref<8192x1024xf32, #tpu.memory_space<hbm>>, %arg4: memref<16x2x32x1024xf32, #tpu.memory_space<vmem_shared>>, %arg5: memref<32x1024xf32, #tpu.memory_space<vmem>>, %arg6: memref<32x1024xf32, #tpu.memory_space<vmem>>, %arg7: memref<!tpu.dma_semaphore, #tpu.memory_space<semaphore_mem>>, %arg8: memref<!tpu.dma_semaphore, #tpu.memory_space<semaphore_mem>>, %arg9: memref<!tpu.dma_semaphore, #tpu.memory_space<semaphore_mem>>, %arg10: memref<!tpu.dma_semaphore, #tpu.memory_space<semaphore_mem>>, %arg11: memref<!tpu.dma_semaphore, #tpu.memory_space<semaphore_mem>>, %arg12: memref<!tpu.dma_semaphore, #tpu.memory_space<semaphore_mem>>, %arg13: memref<!tpu.dma_semaphore, #tpu.memory_space<semaphore_mem>>, %arg14: memref<!tpu.dma_semaphore, #tpu.memory_space<semaphore_mem>>) attributes {dimension_semantics = [#tpu.dimension_semantics<core_parallel>, #tpu.dimension_semantics<subcore_parallel>], iteration_bounds = array<i64: 2, 16>, scalar_prefetch = 0 : i64, scratch_operands = 11 : i64, tpu.core_type = #tpu.core_type<sc_vector_subcore>, window_params = [{transform_indices = #map}, {transform_indices = #map}]} {
    %mul3A = arith.constant 2 : i32
    %mul3A_0 = arith.muli %arg1, %mul3A : i32
    %add3A = arith.addi %mul3A_0, %arg0 : i32
    %mul3A_1 = arith.constant 256 : i32
    %mul3A_2 = arith.muli %add3A, %mul3A_1 : i32
    %add3A_3 = arith.constant 0 : i32
    %add3A_4 = arith.addi %mul3A_2, %add3A_3 : i32
    %dma_start3A = arith.constant 0 : i32
    %dma_start3A_5 = arith.constant 0 : i32
    %dma_start3A_6 = arith.constant 0 : i32
    %dma_start3A_7 = tpu.memref_slice %arg4[%arg1, %dma_start3A, %dma_start3A_5, %dma_start3A_6] : memref<16x2x32x1024xf32, #tpu.memory_space<vmem_shared>> -> memref<1x1x32x1024xf32, #tpu.memory_space<vmem_shared>>
    %dma_start3A_8 = tpu.memref_squeeze %dma_start3A_7 : memref<1x1x32x1024xf32, #tpu.memory_space<vmem_shared>> -> memref<32x1024xf32, #tpu.memory_space<vmem_shared>>
    %dma_start3A_9 = arith.constant 0 : i32
    %dma_start3A_10 = tpu.memref_slice %arg2[%add3A_4, %dma_start3A_9] : memref<8192x1024xf32, #tpu.memory_space<hbm>> -> memref<32x1024xf32, #tpu.memory_space<hbm>>
    tpu.enqueue_dma source(%dma_start3A_10 : memref<32x1024xf32, #tpu.memory_space<hbm>>) target(%dma_start3A_8 : memref<32x1024xf32, #tpu.memory_space<vmem_shared>>) target_semaphore(%arg7 : memref<!tpu.dma_semaphore, #tpu.memory_space<semaphore_mem>>)
    %add3A_11 = arith.constant 32 : i32
    %add3A_12 = arith.addi %mul3A_2, %add3A_11 : i32
    %dma_start3A_13 = arith.constant 0 : i32
    %dma_start3A_14 = tpu.memref_slice %arg2[%add3A_12, %dma_start3A_13] : memref<8192x1024xf32, #tpu.memory_space<hbm>> -> memref<32x1024xf32, #tpu.memory_space<hbm>>
    %dma_start3A_15 = arith.constant 0 : i32
    %dma_start3A_16 = tpu.memref_slice %arg2[%add3A_12, %dma_start3A_15] : memref<8192x1024xf32, #tpu.memory_space<hbm>> -> memref<32x1024xf32, #tpu.memory_space<hbm>>
    tpu.enqueue_dma source(%dma_start3A_16 : memref<32x1024xf32, #tpu.memory_space<hbm>>) target(%arg5 : memref<32x1024xf32, #tpu.memory_space<vmem>>) target_semaphore(%arg11 : memref<!tpu.dma_semaphore, #tpu.memory_space<semaphore_mem>>)
    %dma_wait3A = arith.constant 0 : i32
    %dma_wait3A_17 = arith.constant 0 : i32
    %dma_wait3A_18 = arith.constant 0 : i32
    %dma_wait3A_19 = tpu.memref_slice %arg4[%arg1, %dma_wait3A, %dma_wait3A_17, %dma_wait3A_18] : memref<16x2x32x1024xf32, #tpu.memory_space<vmem_shared>> -> memref<1x1x32x1024xf32, #tpu.memory_space<vmem_shared>>
    %dma_wait3A_20 = tpu.memref_squeeze %dma_wait3A_19 : memref<1x1x32x1024xf32, #tpu.memory_space<vmem_shared>> -> memref<32x1024xf32, #tpu.memory_space<vmem_shared>>
    %dma_wait3A_21 = arith.constant 0 : i32
    %dma_wait3A_22 = tpu.memref_slice %arg2[%add3A_4, %dma_wait3A_21] : memref<8192x1024xf32, #tpu.memory_space<hbm>> -> memref<32x1024xf32, #tpu.memory_space<hbm>>
    tpu.wait_dma2 semaphore(%arg7 : memref<!tpu.dma_semaphore, #tpu.memory_space<semaphore_mem>>) src(%dma_wait3A_22 : memref<32x1024xf32, #tpu.memory_space<hbm>>) dst(%dma_wait3A_20 : memref<32x1024xf32, #tpu.memory_space<vmem_shared>>)
    %add3A_23 = arith.constant 64 : i32
    %add3A_24 = arith.addi %mul3A_2, %add3A_23 : i32
    %dma_start3A_25 = arith.constant 1 : i32
    %dma_start3A_26 = arith.constant 0 : i32
    %dma_start3A_27 = arith.constant 0 : i32
    %dma_start3A_28 = tpu.memref_slice %arg4[%arg1, %dma_start3A_25, %dma_start3A_26, %dma_start3A_27] : memref<16x2x32x1024xf32, #tpu.memory_space<vmem_shared>> -> memref<1x1x32x1024xf32, #tpu.memory_space<vmem_shared>>
    %dma_start3A_29 = tpu.memref_squeeze %dma_start3A_28 : memref<1x1x32x1024xf32, #tpu.memory_space<vmem_shared>> -> memref<32x1024xf32, #tpu.memory_space<vmem_shared>>
    %dma_start3A_30 = arith.constant 0 : i32
    %dma_start3A_31 = tpu.memref_slice %arg2[%add3A_24, %dma_start3A_30] : memref<8192x1024xf32, #tpu.memory_space<hbm>> -> memref<32x1024xf32, #tpu.memory_space<hbm>>
    tpu.enqueue_dma source(%dma_start3A_31 : memref<32x1024xf32, #tpu.memory_space<hbm>>) target(%dma_start3A_29 : memref<32x1024xf32, #tpu.memory_space<vmem_shared>>) target_semaphore(%arg8 : memref<!tpu.dma_semaphore, #tpu.memory_space<semaphore_mem>>)
    %add3A_32 = arith.constant 0 : i32
    %add3A_33 = arith.addi %mul3A_2, %add3A_32 : i32
    %dma_start3A_34 = arith.constant 0 : i32
    %dma_start3A_35 = arith.constant 0 : i32
    %dma_start3A_36 = tpu.memref_slice %arg3[%add3A_33, %dma_start3A_35] : memref<8192x1024xf32, #tpu.memory_space<hbm>> -> memref<32x1024xf32, #tpu.memory_space<hbm>>
    %dma_start3A_37 = arith.constant 0 : i32
    %dma_start3A_38 = arith.constant 0 : i32
    %dma_start3A_39 = tpu.memref_slice %arg4[%arg1, %dma_start3A_34, %dma_start3A_37, %dma_start3A_38] : memref<16x2x32x1024xf32, #tpu.memory_space<vmem_shared>> -> memref<1x1x32x1024xf32, #tpu.memory_space<vmem_shared>>
    %dma_start3A_40 = tpu.memref_squeeze %dma_start3A_39 : memref<1x1x32x1024xf32, #tpu.memory_space<vmem_shared>> -> memref<32x1024xf32, #tpu.memory_space<vmem_shared>>
    tpu.enqueue_dma source(%dma_start3A_40 : memref<32x1024xf32, #tpu.memory_space<vmem_shared>>) target(%dma_start3A_36 : memref<32x1024xf32, #tpu.memory_space<hbm>>) target_semaphore(%arg9 : memref<!tpu.dma_semaphore, #tpu.memory_space<semaphore_mem>>)
    %dma_wait3A_41 = arith.constant 0 : i32
    %dma_wait3A_42 = tpu.memref_slice %arg2[%add3A_12, %dma_wait3A_41] : memref<8192x1024xf32, #tpu.memory_space<hbm>> -> memref<32x1024xf32, #tpu.memory_space<hbm>>
    %dma_wait3A_43 = arith.constant 0 : i32
    %dma_wait3A_44 = tpu.memref_slice %arg2[%add3A_12, %dma_wait3A_43] : memref<8192x1024xf32, #tpu.memory_space<hbm>> -> memref<32x1024xf32, #tpu.memory_space<hbm>>
    tpu.wait_dma2 semaphore(%arg11 : memref<!tpu.dma_semaphore, #tpu.memory_space<semaphore_mem>>) src(%dma_wait3A_44 : memref<32x1024xf32, #tpu.memory_space<hbm>>) dst(%arg5 : memref<32x1024xf32, #tpu.memory_space<vmem>>)
    %add3A_45 = arith.constant 96 : i32
    %add3A_46 = arith.addi %mul3A_2, %add3A_45 : i32
    %dma_start3A_47 = arith.constant 0 : i32
    %dma_start3A_48 = tpu.memref_slice %arg2[%add3A_46, %dma_start3A_47] : memref<8192x1024xf32, #tpu.memory_space<hbm>> -> memref<32x1024xf32, #tpu.memory_space<hbm>>
    %dma_start3A_49 = arith.constant 0 : i32
    %dma_start3A_50 = tpu.memref_slice %arg2[%add3A_46, %dma_start3A_49] : memref<8192x1024xf32, #tpu.memory_space<hbm>> -> memref<32x1024xf32, #tpu.memory_space<hbm>>
    tpu.enqueue_dma source(%dma_start3A_50 : memref<32x1024xf32, #tpu.memory_space<hbm>>) target(%arg6 : memref<32x1024xf32, #tpu.memory_space<vmem>>) target_semaphore(%arg12 : memref<!tpu.dma_semaphore, #tpu.memory_space<semaphore_mem>>)
    %add3A_51 = arith.constant 32 : i32
    %add3A_52 = arith.addi %mul3A_2, %add3A_51 : i32
    %dma_start3A_53 = arith.constant 0 : i32
    %dma_start3A_54 = tpu.memref_slice %arg3[%add3A_52, %dma_start3A_53] : memref<8192x1024xf32, #tpu.memory_space<hbm>> -> memref<32x1024xf32, #tpu.memory_space<hbm>>
    %dma_start3A_55 = arith.constant 0 : i32
    %dma_start3A_56 = tpu.memref_slice %arg3[%add3A_52, %dma_start3A_55] : memref<8192x1024xf32, #tpu.memory_space<hbm>> -> memref<32x1024xf32, #tpu.memory_space<hbm>>
    tpu.enqueue_dma source(%arg5 : memref<32x1024xf32, #tpu.memory_space<vmem>>) target(%dma_start3A_56 : memref<32x1024xf32, #tpu.memory_space<hbm>>) target_semaphore(%arg13 : memref<!tpu.dma_semaphore, #tpu.memory_space<semaphore_mem>>)
    %dma_wait3A_57 = arith.constant 1 : i32
    %dma_wait3A_58 = arith.constant 0 : i32
    %dma_wait3A_59 = arith.constant 0 : i32
    %dma_wait3A_60 = tpu.memref_slice %arg4[%arg1, %dma_wait3A_57, %dma_wait3A_58, %dma_wait3A_59] : memref<16x2x32x1024xf32, #tpu.memory_space<vmem_shared>> -> memref<1x1x32x1024xf32, #tpu.memory_space<vmem_shared>>
    %dma_wait3A_61 = tpu.memref_squeeze %dma_wait3A_60 : memref<1x1x32x1024xf32, #tpu.memory_space<vmem_shared>> -> memref<32x1024xf32, #tpu.memory_space<vmem_shared>>
    %dma_wait3A_62 = arith.constant 0 : i32
    %dma_wait3A_63 = tpu.memref_slice %arg2[%add3A_24, %dma_wait3A_62] : memref<8192x1024xf32, #tpu.memory_space<hbm>> -> memref<32x1024xf32, #tpu.memory_space<hbm>>
    tpu.wait_dma2 semaphore(%arg8 : memref<!tpu.dma_semaphore, #tpu.memory_space<semaphore_mem>>) src(%dma_wait3A_63 : memref<32x1024xf32, #tpu.memory_space<hbm>>) dst(%dma_wait3A_61 : memref<32x1024xf32, #tpu.memory_space<vmem_shared>>)
    %dma_wait3A_64 = arith.constant 0 : i32
    %dma_wait3A_65 = arith.constant 0 : i32
    %dma_wait3A_66 = tpu.memref_slice %arg3[%add3A_33, %dma_wait3A_65] : memref<8192x1024xf32, #tpu.memory_space<hbm>> -> memref<32x1024xf32, #tpu.memory_space<hbm>>
    %dma_wait3A_67 = arith.constant 0 : i32
    %dma_wait3A_68 = arith.constant 0 : i32
    %dma_wait3A_69 = tpu.memref_slice %arg4[%arg1, %dma_wait3A_64, %dma_wait3A_67, %dma_wait3A_68] : memref<16x2x32x1024xf32, #tpu.memory_space<vmem_shared>> -> memref<1x1x32x1024xf32, #tpu.memory_space<vmem_shared>>
    %dma_wait3A_70 = tpu.memref_squeeze %dma_wait3A_69 : memref<1x1x32x1024xf32, #tpu.memory_space<vmem_shared>> -> memref<32x1024xf32, #tpu.memory_space<vmem_shared>>
    tpu.wait_dma2 semaphore(%arg9 : memref<!tpu.dma_semaphore, #tpu.memory_space<semaphore_mem>>) src(%dma_wait3A_70 : memref<32x1024xf32, #tpu.memory_space<vmem_shared>>) dst(%dma_wait3A_66 : memref<32x1024xf32, #tpu.memory_space<hbm>>)
    %add3A_71 = arith.constant 128 : i32
    %add3A_72 = arith.addi %mul3A_2, %add3A_71 : i32
    %dma_start3A_73 = arith.constant 0 : i32
    %dma_start3A_74 = arith.constant 0 : i32
    %dma_start3A_75 = arith.constant 0 : i32
    %dma_start3A_76 = tpu.memref_slice %arg4[%arg1, %dma_start3A_73, %dma_start3A_74, %dma_start3A_75] : memref<16x2x32x1024xf32, #tpu.memory_space<vmem_shared>> -> memref<1x1x32x1024xf32, #tpu.memory_space<vmem_shared>>
    %dma_start3A_77 = tpu.memref_squeeze %dma_start3A_76 : memref<1x1x32x1024xf32, #tpu.memory_space<vmem_shared>> -> memref<32x1024xf32, #tpu.memory_space<vmem_shared>>
    %dma_start3A_78 = arith.constant 0 : i32
    %dma_start3A_79 = tpu.memref_slice %arg2[%add3A_72, %dma_start3A_78] : memref<8192x1024xf32, #tpu.memory_space<hbm>> -> memref<32x1024xf32, #tpu.memory_space<hbm>>
    tpu.enqueue_dma source(%dma_start3A_79 : memref<32x1024xf32, #tpu.memory_space<hbm>>) target(%dma_start3A_77 : memref<32x1024xf32, #tpu.memory_space<vmem_shared>>) target_semaphore(%arg7 : memref<!tpu.dma_semaphore, #tpu.memory_space<semaphore_mem>>)
    %add3A_80 = arith.constant 64 : i32
    %add3A_81 = arith.addi %mul3A_2, %add3A_80 : i32
    %dma_start3A_82 = arith.constant 1 : i32
    %dma_start3A_83 = arith.constant 0 : i32
    %dma_start3A_84 = tpu.memref_slice %arg3[%add3A_81, %dma_start3A_83] : memref<8192x1024xf32, #tpu.memory_space<hbm>> -> memref<32x1024xf32, #tpu.memory_space<hbm>>
    %dma_start3A_85 = arith.constant 0 : i32
    %dma_start3A_86 = arith.constant 0 : i32
    %dma_start3A_87 = tpu.memref_slice %arg4[%arg1, %dma_start3A_82, %dma_start3A_85, %dma_start3A_86] : memref<16x2x32x1024xf32, #tpu.memory_space<vmem_shared>> -> memref<1x1x32x1024xf32, #tpu.memory_space<vmem_shared>>
    %dma_start3A_88 = tpu.memref_squeeze %dma_start3A_87 : memref<1x1x32x1024xf32, #tpu.memory_space<vmem_shared>> -> memref<32x1024xf32, #tpu.memory_space<vmem_shared>>
    tpu.enqueue_dma source(%dma_start3A_88 : memref<32x1024xf32, #tpu.memory_space<vmem_shared>>) target(%dma_start3A_84 : memref<32x1024xf32, #tpu.memory_space<hbm>>) target_semaphore(%arg10 : memref<!tpu.dma_semaphore, #tpu.memory_space<semaphore_mem>>)
    %dma_wait3A_89 = arith.constant 0 : i32
    %dma_wait3A_90 = tpu.memref_slice %arg2[%add3A_46, %dma_wait3A_89] : memref<8192x1024xf32, #tpu.memory_space<hbm>> -> memref<32x1024xf32, #tpu.memory_space<hbm>>
    %dma_wait3A_91 = arith.constant 0 : i32
    %dma_wait3A_92 = tpu.memref_slice %arg2[%add3A_46, %dma_wait3A_91] : memref<8192x1024xf32, #tpu.memory_space<hbm>> -> memref<32x1024xf32, #tpu.memory_space<hbm>>
    tpu.wait_dma2 semaphore(%arg12 : memref<!tpu.dma_semaphore, #tpu.memory_space<semaphore_mem>>) src(%dma_wait3A_92 : memref<32x1024xf32, #tpu.memory_space<hbm>>) dst(%arg6 : memref<32x1024xf32, #tpu.memory_space<vmem>>)
    %dma_wait3A_93 = arith.constant 0 : i32
    %dma_wait3A_94 = tpu.memref_slice %arg3[%add3A_52, %dma_wait3A_93] : memref<8192x1024xf32, #tpu.memory_space<hbm>> -> memref<32x1024xf32, #tpu.memory_space<hbm>>
    %dma_wait3A_95 = arith.constant 0 : i32
    %dma_wait3A_96 = tpu.memref_slice %arg3[%add3A_52, %dma_wait3A_95] : memref<8192x1024xf32, #tpu.memory_space<hbm>> -> memref<32x1024xf32, #tpu.memory_space<hbm>>
    tpu.wait_dma2 semaphore(%arg13 : memref<!tpu.dma_semaphore, #tpu.memory_space<semaphore_mem>>) src(%arg5 : memref<32x1024xf32, #tpu.memory_space<vmem>>) dst(%dma_wait3A_96 : memref<32x1024xf32, #tpu.memory_space<hbm>>)
    %add3A_97 = arith.constant 160 : i32
    %add3A_98 = arith.addi %mul3A_2, %add3A_97 : i32
    %dma_start3A_99 = arith.constant 0 : i32
    %dma_start3A_100 = tpu.memref_slice %arg2[%add3A_98, %dma_start3A_99] : memref<8192x1024xf32, #tpu.memory_space<hbm>> -> memref<32x1024xf32, #tpu.memory_space<hbm>>
    %dma_start3A_101 = arith.constant 0 : i32
    %dma_start3A_102 = tpu.memref_slice %arg2[%add3A_98, %dma_start3A_101] : memref<8192x1024xf32, #tpu.memory_space<hbm>> -> memref<32x1024xf32, #tpu.memory_space<hbm>>
    tpu.enqueue_dma source(%dma_start3A_102 : memref<32x1024xf32, #tpu.memory_space<hbm>>) target(%arg5 : memref<32x1024xf32, #tpu.memory_space<vmem>>) target_semaphore(%arg11 : memref<!tpu.dma_semaphore, #tpu.memory_space<semaphore_mem>>)
    %add3A_103 = arith.constant 96 : i32
    %add3A_104 = arith.addi %mul3A_2, %add3A_103 : i32
    %dma_start3A_105 = arith.constant 0 : i32
    %dma_start3A_106 = tpu.memref_slice %arg3[%add3A_104, %dma_start3A_105] : memref<8192x1024xf32, #tpu.memory_space<hbm>> -> memref<32x1024xf32, #tpu.memory_space<hbm>>
    %dma_start3A_107 = arith.constant 0 : i32
    %dma_start3A_108 = tpu.memref_slice %arg3[%add3A_104, %dma_start3A_107] : memref<8192x1024xf32, #tpu.memory_space<hbm>> -> memref<32x1024xf32, #tpu.memory_space<hbm>>
    tpu.enqueue_dma source(%arg6 : memref<32x1024xf32, #tpu.memory_space<vmem>>) target(%dma_start3A_108 : memref<32x1024xf32, #tpu.memory_space<hbm>>) target_semaphore(%arg14 : memref<!tpu.dma_semaphore, #tpu.memory_space<semaphore_mem>>)
    %dma_wait3A_109 = arith.constant 0 : i32
    %dma_wait3A_110 = arith.constant 0 : i32
    %dma_wait3A_111 = arith.constant 0 : i32
    %dma_wait3A_112 = tpu.memref_slice %arg4[%arg1, %dma_wait3A_109, %dma_wait3A_110, %dma_wait3A_111] : memref<16x2x32x1024xf32, #tpu.memory_space<vmem_shared>> -> memref<1x1x32x1024xf32, #tpu.memory_space<vmem_shared>>
    %dma_wait3A_113 = tpu.memref_squeeze %dma_wait3A_112 : memref<1x1x32x1024xf32, #tpu.memory_space<vmem_shared>> -> memref<32x1024xf32, #tpu.memory_space<vmem_shared>>
    %dma_wait3A_114 = arith.constant 0 : i32
    %dma_wait3A_115 = tpu.memref_slice %arg2[%add3A_72, %dma_wait3A_114] : memref<8192x1024xf32, #tpu.memory_space<hbm>> -> memref<32x1024xf32, #tpu.memory_space<hbm>>
    tpu.wait_dma2 semaphore(%arg7 : memref<!tpu.dma_semaphore, #tpu.memory_space<semaphore_mem>>) src(%dma_wait3A_115 : memref<32x1024xf32, #tpu.memory_space<hbm>>) dst(%dma_wait3A_113 : memref<32x1024xf32, #tpu.memory_space<vmem_shared>>)
    %dma_wait3A_116 = arith.constant 1 : i32
    %dma_wait3A_117 = arith.constant 0 : i32
    %dma_wait3A_118 = tpu.memref_slice %arg3[%add3A_81, %dma_wait3A_117] : memref<8192x1024xf32, #tpu.memory_space<hbm>> -> memref<32x1024xf32, #tpu.memory_space<hbm>>
    %dma_wait3A_119 = arith.constant 0 : i32
    %dma_wait3A_120 = arith.constant 0 : i32
    %dma_wait3A_121 = tpu.memref_slice %arg4[%arg1, %dma_wait3A_116, %dma_wait3A_119, %dma_wait3A_120] : memref<16x2x32x1024xf32, #tpu.memory_space<vmem_shared>> -> memref<1x1x32x1024xf32, #tpu.memory_space<vmem_shared>>
    %dma_wait3A_122 = tpu.memref_squeeze %dma_wait3A_121 : memref<1x1x32x1024xf32, #tpu.memory_space<vmem_shared>> -> memref<32x1024xf32, #tpu.memory_space<vmem_shared>>
    tpu.wait_dma2 semaphore(%arg10 : memref<!tpu.dma_semaphore, #tpu.memory_space<semaphore_mem>>) src(%dma_wait3A_122 : memref<32x1024xf32, #tpu.memory_space<vmem_shared>>) dst(%dma_wait3A_118 : memref<32x1024xf32, #tpu.memory_space<hbm>>)
    %add3A_123 = arith.constant 192 : i32
    %add3A_124 = arith.addi %mul3A_2, %add3A_123 : i32
    %dma_start3A_125 = arith.constant 1 : i32
    %dma_start3A_126 = arith.constant 0 : i32
    %dma_start3A_127 = arith.constant 0 : i32
    %dma_start3A_128 = tpu.memref_slice %arg4[%arg1, %dma_start3A_125, %dma_start3A_126, %dma_start3A_127] : memref<16x2x32x1024xf32, #tpu.memory_space<vmem_shared>> -> memref<1x1x32x1024xf32, #tpu.memory_space<vmem_shared>>
    %dma_start3A_129 = tpu.memref_squeeze %dma_start3A_128 : memref<1x1x32x1024xf32, #tpu.memory_space<vmem_shared>> -> memref<32x1024xf32, #tpu.memory_space<vmem_shared>>
    %dma_start3A_130 = arith.constant 0 : i32
    %dma_start3A_131 = tpu.memref_slice %arg2[%add3A_124, %dma_start3A_130] : memref<8192x1024xf32, #tpu.memory_space<hbm>> -> memref<32x1024xf32, #tpu.memory_space<hbm>>
    tpu.enqueue_dma source(%dma_start3A_131 : memref<32x1024xf32, #tpu.memory_space<hbm>>) target(%dma_start3A_129 : memref<32x1024xf32, #tpu.memory_space<vmem_shared>>) target_semaphore(%arg8 : memref<!tpu.dma_semaphore, #tpu.memory_space<semaphore_mem>>)
    %add3A_132 = arith.constant 128 : i32
    %add3A_133 = arith.addi %mul3A_2, %add3A_132 : i32
    %dma_start3A_134 = arith.constant 0 : i32
    %dma_start3A_135 = arith.constant 0 : i32
    %dma_start3A_136 = tpu.memref_slice %arg3[%add3A_133, %dma_start3A_135] : memref<8192x1024xf32, #tpu.memory_space<hbm>> -> memref<32x1024xf32, #tpu.memory_space<hbm>>
    %dma_start3A_137 = arith.constant 0 : i32
    %dma_start3A_138 = arith.constant 0 : i32
    %dma_start3A_139 = tpu.memref_slice %arg4[%arg1, %dma_start3A_134, %dma_start3A_137, %dma_start3A_138] : memref<16x2x32x1024xf32, #tpu.memory_space<vmem_shared>> -> memref<1x1x32x1024xf32, #tpu.memory_space<vmem_shared>>
    %dma_start3A_140 = tpu.memref_squeeze %dma_start3A_139 : memref<1x1x32x1024xf32, #tpu.memory_space<vmem_shared>> -> memref<32x1024xf32, #tpu.memory_space<vmem_shared>>
    tpu.enqueue_dma source(%dma_start3A_140 : memref<32x1024xf32, #tpu.memory_space<vmem_shared>>) target(%dma_start3A_136 : memref<32x1024xf32, #tpu.memory_space<hbm>>) target_semaphore(%arg9 : memref<!tpu.dma_semaphore, #tpu.memory_space<semaphore_mem>>)
    %dma_wait3A_141 = arith.constant 0 : i32
    %dma_wait3A_142 = tpu.memref_slice %arg2[%add3A_98, %dma_wait3A_141] : memref<8192x1024xf32, #tpu.memory_space<hbm>> -> memref<32x1024xf32, #tpu.memory_space<hbm>>
    %dma_wait3A_143 = arith.constant 0 : i32
    %dma_wait3A_144 = tpu.memref_slice %arg2[%add3A_98, %dma_wait3A_143] : memref<8192x1024xf32, #tpu.memory_space<hbm>> -> memref<32x1024xf32, #tpu.memory_space<hbm>>
    tpu.wait_dma2 semaphore(%arg11 : memref<!tpu.dma_semaphore, #tpu.memory_space<semaphore_mem>>) src(%dma_wait3A_144 : memref<32x1024xf32, #tpu.memory_space<hbm>>) dst(%arg5 : memref<32x1024xf32, #tpu.memory_space<vmem>>)
    %dma_wait3A_145 = arith.constant 0 : i32
    %dma_wait3A_146 = tpu.memref_slice %arg3[%add3A_104, %dma_wait3A_145] : memref<8192x1024xf32, #tpu.memory_space<hbm>> -> memref<32x1024xf32, #tpu.memory_space<hbm>>
    %dma_wait3A_147 = arith.constant 0 : i32
    %dma_wait3A_148 = tpu.memref_slice %arg3[%add3A_104, %dma_wait3A_147] : memref<8192x1024xf32, #tpu.memory_space<hbm>> -> memref<32x1024xf32, #tpu.memory_space<hbm>>
    tpu.wait_dma2 semaphore(%arg14 : memref<!tpu.dma_semaphore, #tpu.memory_space<semaphore_mem>>) src(%arg6 : memref<32x1024xf32, #tpu.memory_space<vmem>>) dst(%dma_wait3A_148 : memref<32x1024xf32, #tpu.memory_space<hbm>>)
    %add3A_149 = arith.constant 224 : i32
    %add3A_150 = arith.addi %mul3A_2, %add3A_149 : i32
    %dma_start3A_151 = arith.constant 0 : i32
    %dma_start3A_152 = tpu.memref_slice %arg2[%add3A_150, %dma_start3A_151] : memref<8192x1024xf32, #tpu.memory_space<hbm>> -> memref<32x1024xf32, #tpu.memory_space<hbm>>
    %dma_start3A_153 = arith.constant 0 : i32
    %dma_start3A_154 = tpu.memref_slice %arg2[%add3A_150, %dma_start3A_153] : memref<8192x1024xf32, #tpu.memory_space<hbm>> -> memref<32x1024xf32, #tpu.memory_space<hbm>>
    tpu.enqueue_dma source(%dma_start3A_154 : memref<32x1024xf32, #tpu.memory_space<hbm>>) target(%arg6 : memref<32x1024xf32, #tpu.memory_space<vmem>>) target_semaphore(%arg12 : memref<!tpu.dma_semaphore, #tpu.memory_space<semaphore_mem>>)
    %add3A_155 = arith.constant 160 : i32
    %add3A_156 = arith.addi %mul3A_2, %add3A_155 : i32
    %dma_start3A_157 = arith.constant 0 : i32
    %dma_start3A_158 = tpu.memref_slice %arg3[%add3A_156, %dma_start3A_157] : memref<8192x1024xf32, #tpu.memory_space<hbm>> -> memref<32x1024xf32, #tpu.memory_space<hbm>>
    %dma_start3A_159 = arith.constant 0 : i32
    %dma_start3A_160 = tpu.memref_slice %arg3[%add3A_156, %dma_start3A_159] : memref<8192x1024xf32, #tpu.memory_space<hbm>> -> memref<32x1024xf32, #tpu.memory_space<hbm>>
    tpu.enqueue_dma source(%arg5 : memref<32x1024xf32, #tpu.memory_space<vmem>>) target(%dma_start3A_160 : memref<32x1024xf32, #tpu.memory_space<hbm>>) target_semaphore(%arg13 : memref<!tpu.dma_semaphore, #tpu.memory_space<semaphore_mem>>)
    %dma_wait3A_161 = arith.constant 1 : i32
    %dma_wait3A_162 = arith.constant 0 : i32
    %dma_wait3A_163 = arith.constant 0 : i32
    %dma_wait3A_164 = tpu.memref_slice %arg4[%arg1, %dma_wait3A_161, %dma_wait3A_162, %dma_wait3A_163] : memref<16x2x32x1024xf32, #tpu.memory_space<vmem_shared>> -> memref<1x1x32x1024xf32, #tpu.memory_space<vmem_shared>>
    %dma_wait3A_165 = tpu.memref_squeeze %dma_wait3A_164 : memref<1x1x32x1024xf32, #tpu.memory_space<vmem_shared>> -> memref<32x1024xf32, #tpu.memory_space<vmem_shared>>
    %dma_wait3A_166 = arith.constant 0 : i32
    %dma_wait3A_167 = tpu.memref_slice %arg2[%add3A_124, %dma_wait3A_166] : memref<8192x1024xf32, #tpu.memory_space<hbm>> -> memref<32x1024xf32, #tpu.memory_space<hbm>>
    tpu.wait_dma2 semaphore(%arg8 : memref<!tpu.dma_semaphore, #tpu.memory_space<semaphore_mem>>) src(%dma_wait3A_167 : memref<32x1024xf32, #tpu.memory_space<hbm>>) dst(%dma_wait3A_165 : memref<32x1024xf32, #tpu.memory_space<vmem_shared>>)
    %add3A_168 = arith.constant 192 : i32
    %add3A_169 = arith.addi %mul3A_2, %add3A_168 : i32
    %dma_start3A_170 = arith.constant 1 : i32
    %dma_start3A_171 = arith.constant 0 : i32
    %dma_start3A_172 = tpu.memref_slice %arg3[%add3A_169, %dma_start3A_171] : memref<8192x1024xf32, #tpu.memory_space<hbm>> -> memref<32x1024xf32, #tpu.memory_space<hbm>>
    %dma_start3A_173 = arith.constant 0 : i32
    %dma_start3A_174 = arith.constant 0 : i32
    %dma_start3A_175 = tpu.memref_slice %arg4[%arg1, %dma_start3A_170, %dma_start3A_173, %dma_start3A_174] : memref<16x2x32x1024xf32, #tpu.memory_space<vmem_shared>> -> memref<1x1x32x1024xf32, #tpu.memory_space<vmem_shared>>
    %dma_start3A_176 = tpu.memref_squeeze %dma_start3A_175 : memref<1x1x32x1024xf32, #tpu.memory_space<vmem_shared>> -> memref<32x1024xf32, #tpu.memory_space<vmem_shared>>
    tpu.enqueue_dma source(%dma_start3A_176 : memref<32x1024xf32, #tpu.memory_space<vmem_shared>>) target(%dma_start3A_172 : memref<32x1024xf32, #tpu.memory_space<hbm>>) target_semaphore(%arg10 : memref<!tpu.dma_semaphore, #tpu.memory_space<semaphore_mem>>)
    %dma_wait3A_177 = arith.constant 0 : i32
    %dma_wait3A_178 = tpu.memref_slice %arg2[%add3A_150, %dma_wait3A_177] : memref<8192x1024xf32, #tpu.memory_space<hbm>> -> memref<32x1024xf32, #tpu.memory_space<hbm>>
    %dma_wait3A_179 = arith.constant 0 : i32
    %dma_wait3A_180 = tpu.memref_slice %arg2[%add3A_150, %dma_wait3A_179] : memref<8192x1024xf32, #tpu.memory_space<hbm>> -> memref<32x1024xf32, #tpu.memory_space<hbm>>
    tpu.wait_dma2 semaphore(%arg12 : memref<!tpu.dma_semaphore, #tpu.memory_space<semaphore_mem>>) src(%dma_wait3A_180 : memref<32x1024xf32, #tpu.memory_space<hbm>>) dst(%arg6 : memref<32x1024xf32, #tpu.memory_space<vmem>>)
    %add3A_181 = arith.constant 224 : i32
    %add3A_182 = arith.addi %mul3A_2, %add3A_181 : i32
    %dma_start3A_183 = arith.constant 0 : i32
    %dma_start3A_184 = tpu.memref_slice %arg3[%add3A_182, %dma_start3A_183] : memref<8192x1024xf32, #tpu.memory_space<hbm>> -> memref<32x1024xf32, #tpu.memory_space<hbm>>
    %dma_start3A_185 = arith.constant 0 : i32
    %dma_start3A_186 = tpu.memref_slice %arg3[%add3A_182, %dma_start3A_185] : memref<8192x1024xf32, #tpu.memory_space<hbm>> -> memref<32x1024xf32, #tpu.memory_space<hbm>>
    tpu.enqueue_dma source(%arg6 : memref<32x1024xf32, #tpu.memory_space<vmem>>) target(%dma_start3A_186 : memref<32x1024xf32, #tpu.memory_space<hbm>>) target_semaphore(%arg14 : memref<!tpu.dma_semaphore, #tpu.memory_space<semaphore_mem>>)
    %dma_wait3A_187 = arith.constant 0 : i32
    %dma_wait3A_188 = arith.constant 0 : i32
    %dma_wait3A_189 = tpu.memref_slice %arg3[%add3A_133, %dma_wait3A_188] : memref<8192x1024xf32, #tpu.memory_space<hbm>> -> memref<32x1024xf32, #tpu.memory_space<hbm>>
    %dma_wait3A_190 = arith.constant 0 : i32
    %dma_wait3A_191 = arith.constant 0 : i32
    %dma_wait3A_192 = tpu.memref_slice %arg4[%arg1, %dma_wait3A_187, %dma_wait3A_190, %dma_wait3A_191] : memref<16x2x32x1024xf32, #tpu.memory_space<vmem_shared>> -> memref<1x1x32x1024xf32, #tpu.memory_space<vmem_shared>>
    %dma_wait3A_193 = tpu.memref_squeeze %dma_wait3A_192 : memref<1x1x32x1024xf32, #tpu.memory_space<vmem_shared>> -> memref<32x1024xf32, #tpu.memory_space<vmem_shared>>
    tpu.wait_dma2 semaphore(%arg9 : memref<!tpu.dma_semaphore, #tpu.memory_space<semaphore_mem>>) src(%dma_wait3A_193 : memref<32x1024xf32, #tpu.memory_space<vmem_shared>>) dst(%dma_wait3A_189 : memref<32x1024xf32, #tpu.memory_space<hbm>>)
    %dma_wait3A_194 = arith.constant 1 : i32
    %dma_wait3A_195 = arith.constant 0 : i32
    %dma_wait3A_196 = tpu.memref_slice %arg3[%add3A_169, %dma_wait3A_195] : memref<8192x1024xf32, #tpu.memory_space<hbm>> -> memref<32x1024xf32, #tpu.memory_space<hbm>>
    %dma_wait3A_197 = arith.constant 0 : i32
    %dma_wait3A_198 = arith.constant 0 : i32
    %dma_wait3A_199 = tpu.memref_slice %arg4[%arg1, %dma_wait3A_194, %dma_wait3A_197, %dma_wait3A_198] : memref<16x2x32x1024xf32, #tpu.memory_space<vmem_shared>> -> memref<1x1x32x1024xf32, #tpu.memory_space<vmem_shared>>
    %dma_wait3A_200 = tpu.memref_squeeze %dma_wait3A_199 : memref<1x1x32x1024xf32, #tpu.memory_space<vmem_shared>> -> memref<32x1024xf32, #tpu.memory_space<vmem_shared>>
    tpu.wait_dma2 semaphore(%arg10 : memref<!tpu.dma_semaphore, #tpu.memory_space<semaphore_mem>>) src(%dma_wait3A_200 : memref<32x1024xf32, #tpu.memory_space<vmem_shared>>) dst(%dma_wait3A_196 : memref<32x1024xf32, #tpu.memory_space<hbm>>)
    %dma_wait3A_201 = arith.constant 0 : i32
    %dma_wait3A_202 = tpu.memref_slice %arg3[%add3A_156, %dma_wait3A_201] : memref<8192x1024xf32, #tpu.memory_space<hbm>> -> memref<32x1024xf32, #tpu.memory_space<hbm>>
    %dma_wait3A_203 = arith.constant 0 : i32
    %dma_wait3A_204 = tpu.memref_slice %arg3[%add3A_156, %dma_wait3A_203] : memref<8192x1024xf32, #tpu.memory_space<hbm>> -> memref<32x1024xf32, #tpu.memory_space<hbm>>
    tpu.wait_dma2 semaphore(%arg13 : memref<!tpu.dma_semaphore, #tpu.memory_space<semaphore_mem>>) src(%arg5 : memref<32x1024xf32, #tpu.memory_space<vmem>>) dst(%dma_wait3A_204 : memref<32x1024xf32, #tpu.memory_space<hbm>>)
    %dma_wait3A_205 = arith.constant 0 : i32
    %dma_wait3A_206 = tpu.memref_slice %arg3[%add3A_182, %dma_wait3A_205] : memref<8192x1024xf32, #tpu.memory_space<hbm>> -> memref<32x1024xf32, #tpu.memory_space<hbm>>
    %dma_wait3A_207 = arith.constant 0 : i32
    %dma_wait3A_208 = tpu.memref_slice %arg3[%add3A_182, %dma_wait3A_207] : memref<8192x1024xf32, #tpu.memory_space<hbm>> -> memref<32x1024xf32, #tpu.memory_space<hbm>>
    tpu.wait_dma2 semaphore(%arg14 : memref<!tpu.dma_semaphore, #tpu.memory_space<semaphore_mem>>) src(%arg6 : memref<32x1024xf32, #tpu.memory_space<vmem>>) dst(%dma_wait3A_208 : memref<32x1024xf32, #tpu.memory_space<hbm>>)
    return
  }
}

#map = affine_map<(d0, d1) -> (0, 0)>
#map1 = affine_map<(d0, d1) -> (0)>
module attributes {stable_mosaic.version = 14 : i64} {
  func.func @_gather_body(%arg0: i32, %arg1: i32, %arg2: memref<8192x1024xf32, #tpu.memory_space<hbm>>, %arg3: memref<8192xi32, #tpu.memory_space<hbm>>, %arg4: memref<8192x1024xf32, #tpu.memory_space<hbm>>, %arg5: memref<256xi32, #tpu.memory_space<vmem>>, %arg6: memref<64x1024xf32, #tpu.memory_space<vmem>>, %arg7: memref<!tpu.dma_semaphore, #tpu.memory_space<semaphore_mem>>) attributes {dimension_semantics = [#tpu.dimension_semantics<core_parallel>, #tpu.dimension_semantics<subcore_parallel>], iteration_bounds = array<i64: 2, 16>, scalar_prefetch = 0 : i64, scratch_operands = 3 : i64, tpu.core_type = #tpu.core_type<sc_vector_subcore>, window_params = [{transform_indices = #map}, {transform_indices = #map1}, {transform_indices = #map}]} {
    %mul3A = arith.constant 2 : i32
    %mul3A_0 = arith.muli %arg1, %mul3A : i32
    %add3A = arith.addi %mul3A_0, %arg0 : i32
    %mul3A_1 = arith.constant 256 : i32
    %mul3A_2 = arith.muli %add3A, %mul3A_1 : i32
    "tpu.region"() ({
      %run_scoped3A = tpu.sem_alloc : memref<!tpu.dma_semaphore, #tpu.memory_space<semaphore_mem>>
      %dma_start3A = tpu.memref_slice %arg3[%mul3A_2] : memref<8192xi32, #tpu.memory_space<hbm>> -> memref<256xi32, #tpu.memory_space<hbm>>
      %dma_start3A_7 = tpu.memref_slice %arg3[%mul3A_2] : memref<8192xi32, #tpu.memory_space<hbm>> -> memref<256xi32, #tpu.memory_space<hbm>>
      tpu.enqueue_dma source(%dma_start3A_7 : memref<256xi32, #tpu.memory_space<hbm>>) target(%arg5 : memref<256xi32, #tpu.memory_space<vmem>>) target_semaphore(%run_scoped3A : memref<!tpu.dma_semaphore, #tpu.memory_space<semaphore_mem>>)
      %dma_wait3A = tpu.memref_slice %arg3[%mul3A_2] : memref<8192xi32, #tpu.memory_space<hbm>> -> memref<256xi32, #tpu.memory_space<hbm>>
      %dma_wait3A_8 = tpu.memref_slice %arg3[%mul3A_2] : memref<8192xi32, #tpu.memory_space<hbm>> -> memref<256xi32, #tpu.memory_space<hbm>>
      tpu.wait_dma2 semaphore(%run_scoped3A : memref<!tpu.dma_semaphore, #tpu.memory_space<semaphore_mem>>) src(%dma_wait3A_8 : memref<256xi32, #tpu.memory_space<hbm>>) dst(%arg5 : memref<256xi32, #tpu.memory_space<vmem>>)
      tpu.yield
    }) : () -> ()
    %scan3A = arith.constant 0 : i32
    %scan3A_3 = arith.constant 4 : i32
    %scan3A_4 = arith.addi %scan3A, %scan3A_3 : i32
    %scan3A_5 = arith.constant 1 : i32
    scf.for %scan3A_7 = %scan3A to %scan3A_4 step %scan3A_5  : i32 {
      %mul3A_8 = arith.constant 64 : i32
      %mul3A_9 = arith.muli %scan3A_7, %mul3A_8 : i32
      %dma_start3A = tpu.memref_slice %arg5[%mul3A_9] : memref<256xi32, #tpu.memory_space<vmem>> -> memref<64xi32, #tpu.memory_space<vmem>>
      %dma_start3A_10 = arith.constant 0 : i32
      %dma_start3A_11 = arith.constant 0 : i32
      %dma_start3A_12 = tpu.memref_slice %arg2[%dma_start3A_10, %dma_start3A_11] : memref<8192x1024xf32, #tpu.memory_space<hbm>> -> memref<8192x1024xf32, #tpu.memory_space<hbm>>
      tpu.enqueue_indirect_dma source(%dma_start3A_12 : memref<8192x1024xf32, #tpu.memory_space<hbm>>) target(%arg6 : memref<64x1024xf32, #tpu.memory_space<vmem>>) offsets(%dma_start3A : memref<64xi32, #tpu.memory_space<vmem>>) semaphore(%arg7 : memref<!tpu.dma_semaphore, #tpu.memory_space<semaphore_mem>>)
      %dma_wait3A = tpu.memref_slice %arg5[%mul3A_9] : memref<256xi32, #tpu.memory_space<vmem>> -> memref<64xi32, #tpu.memory_space<vmem>>
      %dma_wait3A_13 = arith.constant 0 : i32
      %dma_wait3A_14 = arith.constant 0 : i32
      %dma_wait3A_15 = tpu.memref_slice %arg2[%dma_wait3A_13, %dma_wait3A_14] : memref<8192x1024xf32, #tpu.memory_space<hbm>> -> memref<8192x1024xf32, #tpu.memory_space<hbm>>
      tpu.wait_indirect_dma semaphore(%arg7 : memref<!tpu.dma_semaphore, #tpu.memory_space<semaphore_mem>>) src(%dma_wait3A_15 : memref<8192x1024xf32, #tpu.memory_space<hbm>>) dst(%arg6 : memref<64x1024xf32, #tpu.memory_space<vmem>>)
      %mul3A_16 = arith.constant 64 : i32
      %mul3A_17 = arith.muli %scan3A_7, %mul3A_16 : i32
      %add3A_18 = arith.addi %mul3A_2, %mul3A_17 : i32
      "tpu.region"() ({
        %run_scoped3A = tpu.sem_alloc : memref<!tpu.dma_semaphore, #tpu.memory_space<semaphore_mem>>
        %dma_start3A_19 = arith.constant 0 : i32
        %dma_start3A_20 = tpu.memref_slice %arg4[%add3A_18, %dma_start3A_19] : memref<8192x1024xf32, #tpu.memory_space<hbm>> -> memref<64x1024xf32, #tpu.memory_space<hbm>>
        %dma_start3A_21 = arith.constant 0 : i32
        %dma_start3A_22 = tpu.memref_slice %arg4[%add3A_18, %dma_start3A_21] : memref<8192x1024xf32, #tpu.memory_space<hbm>> -> memref<64x1024xf32, #tpu.memory_space<hbm>>
        tpu.enqueue_dma source(%arg6 : memref<64x1024xf32, #tpu.memory_space<vmem>>) target(%dma_start3A_22 : memref<64x1024xf32, #tpu.memory_space<hbm>>) target_semaphore(%run_scoped3A : memref<!tpu.dma_semaphore, #tpu.memory_space<semaphore_mem>>)
        %dma_wait3A_23 = arith.constant 0 : i32
        %dma_wait3A_24 = tpu.memref_slice %arg4[%add3A_18, %dma_wait3A_23] : memref<8192x1024xf32, #tpu.memory_space<hbm>> -> memref<64x1024xf32, #tpu.memory_space<hbm>>
        %dma_wait3A_25 = arith.constant 0 : i32
        %dma_wait3A_26 = tpu.memref_slice %arg4[%add3A_18, %dma_wait3A_25] : memref<8192x1024xf32, #tpu.memory_space<hbm>> -> memref<64x1024xf32, #tpu.memory_space<hbm>>
        tpu.wait_dma2 semaphore(%run_scoped3A : memref<!tpu.dma_semaphore, #tpu.memory_space<semaphore_mem>>) src(%arg6 : memref<64x1024xf32, #tpu.memory_space<vmem>>) dst(%dma_wait3A_26 : memref<64x1024xf32, #tpu.memory_space<hbm>>)
        tpu.yield
      }) : () -> ()
    }
    %scan3A_6 = arith.constant 4 : i32
    return
  }
}

</mosaic_0001>

<sc_bundles>
// kernel: branch_0_fun.3.cloned.1.call-start
scs
__scs_entry_jumppad:
0x0: {  	(pc) =	sbr.rel $0x88, $3  }
0x1: {  	(tag) =	ssettag $0x0;
	lr =	simm.s32 $0x1  }
0x2: {  	[smem:$0x3F9F] =	sst lr;
	_ =	strace $0xD0000000  }
0x3: {  	_ = 	snop  }
0x4: {  	_ = 	snop  }
0x5: {  	_ = 	snop  }
0x6: {  	_ = 	snop  }
0x7: {  	_ = 	snop  }
__scs_overlays_trampoline_lowered:
0x8: {  	[smem:$0x3FAE] =	sst s0  }
0x9: {  	[smem:$0x3FAF] =	sst s1  }
0xa: {  	[smem:$0x3FB0] =	sst s2  }
0xb: {  	[smem:$0x3FB1] =	sst s3  }
0xc: {  	[smem:$0x3FB2] =	sst s4  }
0xd: {  	[smem:$0x3FB3] =	sst s5  }
0xe: {  	[smem:$0x3FB4] =	sst s6  }
0xf: {  	[smem:$0x3FB5] =	sst s7  }
0x10: {  	[smem:$0x3FB6] =	sst s8  }
0x11: {  	[smem:$0x3FB7] =	sst s9;
	s0 =	simm.s32 @!p0 $0x0  }
0x12: {  	s1 =	sld [smem:$0x3F9D];
	s0 =	simm.s32 @p0 $0x1  }
0x13: {  	[smem:$0x3FB8] =	sst s0;
	s0 =	simm.s32 @!p1 $0x0  }
0x14: {  	s2 =	sld [smem:$0x3F9C];
	s0 =	simm.s32 @p1 $0x1  }
0x15: {  	[smem:$0x3FB9] =	sst s0;
	s0 =	simm.s32 @!p2 $0x0  }
0x16: {  	s3 =	sld [smem:$0x3FDB];
	s0 =	simm.s32 @p2 $0x1  }
0x17: {  	s4 =	simm.s32 $0x1BF5;
	[smem:$0x3FBB] =	sst s0  }
0x18: {  	s0 =	sld [smem:$0x3F9E];
	_ =	swait.ge [sflag:s4], $0x0  }
0x19: {  	s7 =	sld [smem:$0x3F9F]  }
0x1a: {  	s8 =	sadd.s32 $0xFFFFE003, lr  }
0x1b: {  	s9 =	sadd.s32 $0xFFFFFEF7, lr;
	s5 =	simm.s32 $0xFFFFFFFF;
	p2 =	slt.u32 s8, $0xFFFFF086  }
0x1c: {  	p1 =	slt.u32 s9, $0xF7A;
	s5 =	simm.s32 @!p2 $0x0  }
0x1d: {  	s5 =	simm.s32 @p1 $0x1;
	p0 =	seq.s32 s7, s2  }
0x1e: {  	s7 =	smul.u32 @!p0 $0xF7A, s2;
	p2 =	seq.s32 @!p0 s5, $0x0  }
0x1f: {  	s9 =	smul.u32 $0xF7A, s1;
	s8 =	simm.s32 @!p0 $0x1BF5;
	p2 =	por !p2, p0  }
0x20: {  	[sflag:s8] =	ssyncset.s32 @!p0 $0xFFFFF086;
	s6 =	sadd.s32 @!p0 s3, s7;
	s7 =	simm.s32 @!p0 $0x108  }
0x21: {  	s3 =	sadd.s32 s3, s9;
	s6 =	sadd.s32 @!p0 $0x88, s6;
	s7 =	simm.s32 @p2 $0x1082  }
0x22: {  	[simem:s7], [sflag:s8] =	dma.local @!p0 [hbm:s6], $0xF7A  }
0x23: {  	s9 =	sor.u32 $0xD0000000, s2;
	s6 =	simm.s32 $0x108;
	_ =	swait.ge @!p0 [sflag:s8], $0x0  }
0x24: {  	s3 =	sadd.s32 $0x88, s3;
	s6 =	simm.s32 @!p1 $0x1082;
	[sflag:s4] =	ssyncset.s32 $0xFFFFF086  }
0x25: {  	[simem:s6], [sflag:s4] =	dma.local [hbm:s3], $0xF7A  }
0x26: {  	[smem:$0x3F9F] =	sst s1;
	(tag) =	ssettag s2;
	_ =	strace s9  }
0x27: {  	s1 =	sld [smem:$0x3FAF]  }
0x28: {  	s2 =	sld [smem:$0x3FB0]  }
0x29: {  	s4 =	sld [smem:$0x3FB2]  }
0x2a: {  	p0 =	seq.s32 s5, $0x0;
	s5 =	sld [smem:$0x3FB3]  }
0x2b: {  	s6 =	sld [smem:$0x3FB4]  }
0x2c: {  	s7 =	sld [smem:$0x3FB5]  }
0x2d: {  	s3 =	simm.s32 $0x108;
	s8 =	sld [smem:$0x3FB6]  }
0x2e: {  	s3 =	simm.s32 @!p0 $0x1082;
	s9 =	sld [smem:$0x3FB7]  }
0x2f: {  	lr =	sadd.s32 s0, s3;
	s0 =	sld [smem:$0x3FAE]  }
0x30: {  	s3 =	sld [smem:$0x3FB1]  }
0x31: {  	[smem:$0x3FBA] =	sst s10  }
0x32: {  	s10 =	sld [smem:$0x3FB8];
	_ =	sdelay $0x3  }
0x33: {  	p0 =	seq.s32 s10, $0x1;
	s10 =	sld [smem:$0x3FBA];
	_ =	sdelay $0x3  }
0x34: {  	[smem:$0x3FBA] =	sst s10  }
0x35: {  	s10 =	sld [smem:$0x3FB9];
	_ =	sdelay $0x3  }
0x36: {  	p1 =	seq.s32 s10, $0x1;
	s10 =	sld [smem:$0x3FBA];
	_ =	sdelay $0x3  }
0x37: {  	[smem:$0x3FBA] =	sst s10  }
0x38: {  	s10 =	sld [smem:$0x3FBB]  }
0x39: {  	_ = 	snop;
	(pc) =	sbr.ind lr, $3  }
0x3a: {  	_ = 	snop  }
0x3b: {  	_ = 	snop  }
0x3c: {  	p2 =	seq.s32 s10, $0x1;
	s10 =	sld [smem:$0x3FBA]  }
0x3d: {  	_ =	shalt  }
0x3e: {  	_ =	shalt  }
0x3f: {  	_ =	shalt  }
0x40: {  	_ =	shalt  }
0x41: {  	_ =	shalt  }
0x42: {  	_ =	shalt  }
0x43: {  	_ =	shalt  }
0x44: {  	_ =	shalt  }
0x45: {  	_ =	shalt  }
0x46: {  	_ =	shalt  }
0x47: {  	_ =	shalt  }
0x48: {  	_ =	shalt  }
0x49: {  	_ =	shalt  }
0x4a: {  	_ =	shalt  }
0x4b: {  	_ =	shalt  }
0x4c: {  	_ =	shalt  }
0x4d: {  	_ =	shalt  }
0x4e: {  	_ =	shalt  }
0x4f: {  	_ =	shalt  }
0x50: {  	_ =	shalt  }
0x51: {  	_ =	shalt  }
0x52: {  	_ =	shalt  }
0x53: {  	_ =	shalt  }
0x54: {  	_ =	shalt  }
0x55: {  	_ =	shalt  }
0x56: {  	_ =	shalt  }
0x57: {  	_ =	shalt  }
0x58: {  	_ =	shalt  }
0x59: {  	_ =	shalt  }
0x5a: {  	_ =	shalt  }
0x5b: {  	_ =	shalt  }
0x5c: {  	_ =	shalt  }
0x5d: {  	_ =	shalt  }
0x5e: {  	_ =	shalt  }
0x5f: {  	_ =	shalt  }
0x60: {  	_ =	shalt  }
0x61: {  	_ =	shalt  }
0x62: {  	_ =	shalt  }
0x63: {  	_ =	shalt  }
0x64: {  	_ =	shalt  }
0x65: {  	_ =	shalt  }
0x66: {  	_ =	shalt  }
0x67: {  	_ =	shalt  }
0x68: {  	_ =	shalt  }
0x69: {  	_ =	shalt  }
0x6a: {  	_ =	shalt  }
0x6b: {  	_ =	shalt  }
0x6c: {  	_ =	shalt  }
0x6d: {  	_ =	shalt  }
0x6e: {  	_ =	shalt  }
0x6f: {  	_ =	shalt  }
0x70: {  	_ =	shalt  }
0x71: {  	_ =	shalt  }
0x72: {  	_ =	shalt  }
0x73: {  	_ =	shalt  }
0x74: {  	_ =	shalt  }
0x75: {  	_ =	shalt  }
0x76: {  	_ =	shalt  }
0x77: {  	_ =	shalt  }
0x78: {  	_ =	shalt  }
0x79: {  	_ =	shalt  }
0x7a: {  	_ =	shalt  }
0x7b: {  	_ =	shalt  }
0x7c: {  	_ =	shalt  }
0x7d: {  	_ =	shalt  }
0x7e: {  	_ =	shalt  }
0x7f: {  	_ =	shalt  }
0x80: {  	_ =	shalt  }
0x81: {  	_ =	shalt  }
0x82: {  	_ =	shalt  }
0x83: {  	_ =	shalt  }
0x84: {  	_ =	shalt  }
0x85: {  	_ =	shalt  }
0x86: {  	_ =	shalt  }
0x87: {  	_ =	shalt  }
.Lfunc_end0:
.L_simem_size_0:
called_computation_lowered:
.L_overlay_start_0:
0x88: {  	s2 =	sld [smem:$0x3FD9]  }
0x89: {  	s3 =	sld [smem:$0x3FFE];
	_ =	sdelay $0x1  }
0x8a: {  	s1 =	srdreg.scid  }
0x8b: {  	s0 =	sand.u32 $0x1, s1  }
0x8c: {  	s17 =	sshll.u32 s0, $0xA;
	s2 =	sadd.s32 s3, s2  }
0x8d: {  	s2 =	sadd.s32 s2, s17  }
0x8e: {  	[smem:$0x3FC6] =	sst s2  }
0x8f: {  	_ = 	snop  }
0x90: {  	s2 =	sld [smem:$0x3FC8]  }
0x91: {  	s18 =	sld [smem:$0x3FD0];
	(tm) =	ssettm $0x1  }
0x92: {  	s4 =	sld [smem:$0x3FFB];
	_ =	sdelay $0x3  }
0x93: {  	_ =	strace s4  }
0x94: {  	s4 =	sld [smem:$0x3FFC];
	_ =	sdelay $0x3  }
0x95: {  	_ =	strace s4  }
0x96: {  	s4 =	sld [smem:$0x3FFD];
	_ =	sdelay $0x3  }
0x97: {  	_ =	strace s4  }
0x98: {  	_ =	strace $0x8FFFFFFF  }
0x99: {  	s19 =	sld [smem:$0x3FDB];
	_ =	sdelay $0x1  }
0x9a: {  	s5 =	simm.s32 $_scs_section_size  }
0x9b: {  	s6 =	simm.s32 $_size__tile_overlayer_lowered;
	s7 =	simm.s32 $_tile_overlayer_lowered  }
0x9c: {  	s22 =	simm.s32 $0x1BFF;
	s21 =	sshll.u32 s7, $0x1;
	s4 =	sadd.s32 s5, s19  }
0x9d: {  	s8 =	simm.s32 $0x0;
	s20 =	sshll.u32 s6, $0x1;
	s6 =	sadd.s32 s21, s4  }
0x9e: {  	[timem:s8], [sflag:s22] =	dma.local [hbm:s6], s20  }
0x9f: {  	_ =	swait.ge [sflag:s22], s20  }
0xa0: {  	s5 =	ssub.s32 $0x0, s20;
	[sflag:s22] =	ssyncset.done $0x0  }
0xa1: {  	[sflag:s22] =	ssyncadd.s32 s5;
	_ =	sdelay $0x1  }
0xa2: {  	s23 =	simm.s32 $0x1B8B  }
0xa3: {  	_ =	swait.ge [sflag:s23], $0x1  }
0xa4: {  	[sflag:s23] =	ssyncset.done $0x0  }
0xa5: {  	s25 =	simm.s32 $0x1B8E;
	s24 =	sld [smem:$0x3FFE];
	[sflag:s23] =	ssyncadd.s32 $0xFFFFFFFF  }
0xa6: {  	s26 =	simm.s32 $execute0_lowered;
	[smem:$0x3FD2] =	sst s25  }
0xa7: {  	s6 =	sshll.u32 s26, $0x1;
	_ =	strace $0x80000046;
	[dreg:$0x1] =	wrdreg $0xFFFFFFFF  }
0xa8: {  	s28 =	simm.s32 $_size_execute0_lowered;
	s4 =	sadd.s32 s4, s6;
	[dreg:$0x0] =	wrdreg $0x0  }
0xa9: {  	s6 =	sshll.u32 s28, $0x1;
	[dreg:$0x2] =	wrdreg s4  }
0xaa: {  	[dreg:$0x3] =	wrdreg s6  }
0xab: {  	[dreg:$0x4] =	wrdreg $0xC0  }
0xac: {  	_ =	task [dreg:s8], $0x5FFFF  }
0xad: {  	[dreg:$0x1] =	wrdreg $0xFFFFFFFF  }
0xae: {  	[dreg:$0x0] =	wrdreg $0x60  }
0xaf: {  	[dreg:$0x2] =	wrdreg s2  }
0xb0: {  	[dreg:$0x3] =	wrdreg s24  }
0xb1: {  	[dreg:$0x4] =	wrdreg s18  }
0xb2: {  	[dreg:$0x5] =	wrdreg $0x9  }
0xb3: {  	_ =	task.clear_ibuf [dreg:s8], $0x6FFFF;
	_ =	strace $0x90000046  }
0xb4: {  	s29 =	simm.s32 $0x9;
	_ =	strace $0x80000048  }
0xb5: {  	_ =	swait.ge [sflag:s29], $0x1  }
0xb6: {  	[sflag:s29] =	ssyncadd.s32 $0xFFFFFFFF  }
0xb7: {  	_ =	strace $0x90000048  }
0xb8: {  	_ =	sfence  }
0xb9: {  	s30 =	sld [smem:$0x0];
	_ =	sdelay $0x2  }
0xba: {  	s31 =	sshll.u32 s1, $0xD;
	s1 =	sshrl.u32 s1, $0x2  }
0xbb: {  	s3 =	sand.u32 $0x4000, s31;
	s1 =	sadd.s32 s1, s30  }
0xbc: {  	s0 =	sor.u32 s3, s0;
	s1 =	sshll.u32 s1, $0x11  }
0xbd: {  	s0 =	sor.u32 s1, s0  }
0xbe: {  	s0 =	sadd.s32 $0x8F2B, s0  }
0xbf: {  	[sflag:s0] =	ssyncadd.remote.s32 $0x1  }
0xc0: {  	_ =	sfence.sel $0xFFFF  }
0xc1: {  	[dreg:$0x0] =	wrdreg $0xFFFFFFFF;
	(pc) =	sbr.abs _section_cstart, $3  }
0xc2: {  	[dreg:$0x1] =	wrdreg $0xFFFFFFFF  }
0xc3: {  	_ =	task.clear_ibuf [dreg:s8], $0x2FFFF;
	_ =	strace $0x9FFFFFFF  }
0xc4: {  	(tm) =	ssettm $0x7FFFFFFF  }
0xc5: {  	_ =	shalt  }
tec
execute0_lowered:
.L_overlay_start_1:
0x0: {  	(tag) =	ssettag $0x1  }
0x1: {  	s1 =	rddreg [dreg:$0x0]  }
0x2: {  	s0 =	rddreg [dreg:$0x1]  }
0x3: {  	s2 =	rddreg [dreg:$0x2];
	s3 =	simm.s32 $0x0;
	s4 =	srdreg.scid  }
0x4: {  	s6 =	stileid.u32;
	s12 =	simm.s32 $0x900;
	[smem:$0x7FF] =	sst s3  }
0x5: {  	s13 =	simm.s32 $0x1100;
	_ =	strace $0x80000047;
	[dreg:$0x5] =	wrdreg s12  }
0x6: {  	s14 =	simm.s32 $0x1900;
	s15 =	simm.s32 $0x2100;
	[dreg:$0x6] =	wrdreg s13  }
0x7: {  	s17 =	simm.s32 $0x2900;
	s18 =	simm.s32 $0x3100;
	[dreg:$0x7] =	wrdreg s14  }
0x8: {  	s19 =	simm.s32 $0x3900;
	s20 =	simm.s32 $0x4100;
	[dreg:$0x8] =	wrdreg s15  }
0x9: {  	s21 =	simm.s32 $0x4900;
	s22 =	simm.s32 $0x5100;
	[dreg:$0x9] =	wrdreg s17  }
0xa: {  	s24 =	simm.s32 $0x5900;
	s9 =	simm.s32 $0x2;
	[dreg:$0xa] =	wrdreg s18  }
0xb: {  	s25 =	simm.s32 $0x6100;
	s26 =	simm.s32 $0x6900;
	[dreg:$0xb] =	wrdreg s19  }
0xc: {  	s28 =	simm.s32 $0xF100;
	s29 =	simm.s32 $0xF900;
	[dreg:$0xc] =	wrdreg s20  }
0xd: {  	s30 =	simm.s32 $0x1;
	s31 =	simm.s32 $0x0;
	[dreg:$0xd] =	wrdreg s21  }
0xe: {  	s4 =	sand.u32 $0x1, s4;
	s5 =	sshll.u32 s6, $0x10;
	[dreg:$0xe] =	wrdreg s22  }
0xf: {  	s6 =	sshll.u32 s6, $0x9;
	s2 =	sadd.s32 s5, s2;
	[dreg:$0xf] =	wrdreg s24  }
0x10: {  	s10 =	sshll.u32 s4, $0xF;
	s7 =	sshll.u32 s4, $0x8;
	[dreg:$0x10] =	wrdreg s25  }
0x11: {  	s4 =	ssub.s32 $0x2, s4;
	[dreg:$0x11] =	wrdreg s26;
	s12 =	simm.s32 $0x7900  }
0x12: {  	s13 =	simm.s32 $0x8100;
	s14 =	simm.s32 $0x8900;
	s15 =	simm.s32 $0x9100  }
0x13: {  	s17 =	simm.s32 $0xA100;
	s18 =	simm.s32 $0xA900;
	s19 =	simm.s32 $0xB100  }
0x14: {  	s20 =	simm.s32 $0xB900;
	s21 =	simm.s32 $0xC100;
	s22 =	simm.s32 $0xC900  }
0x15: {  	s24 =	simm.s32 $0xD900;
	s25 =	simm.s32 $0xE100;
	s26 =	simm.s32 $0xE900  }
0x16: {  	s2 =	sadd.s32 s10, s2;
	s11 =	sor.u32 s7, s6;
	s16 =	sshrl.u32 s4, $0x1  }
0x17: {  	s6 =	sadd.s32 $0x200, s1;
	s7 =	sadd.s32 $0x300, s1;
	s10 =	simm.s32 $0x100  }
0x18: {  	[dreg:$0x4] =	wrdreg s2;
	s5 =	sshrl.u32 s11, $0x3;
	s8 =	ssub.s32 s4, s16  }
0x19: {  	v2 =	vlaneseq.u32;
	s11 =	simm.s32 $0x7100;
	s0 =	sadd.s32 s5, s0;
	s23 =	smax.u32 s8, $0x1  }
0x1a: {  	vm0 =	vmmov $0xffff;
	v1 =	vshrl.u32 v2, $0x3;
	s16 =	simm.s32 $0x9900;
	s0 =	sadd.s32 $0x1200, s0;
	[dreg:$0x13] =	wrdreg s23  }
0x1b: {  	v0 =	vand.u32 $0x7, v2;
	v2 =	vor.u32 $0x8, v2;
	v1 =	vmul.u32 $0x8, v1;
	s5 =	sadd.s32 $0x100, s1;
	s23 =	simm.s32 $0xD100;
	[dreg:$0x12] =	wrdreg s0  }
.LBB2_1:
0x1c: {  	s0 =	rddreg [dreg:$0x12]  }
0x1d: {  	[tilespmem:s3], [sflag:$0x2] =	stream.linear.gather [hbm4b:s0+s3], $0x100, $0x38;
	[tilespmem:$0x10100] =	vst v63  }
0x1e: {  	_ =	swait.ge [sflag:s9], $0x100  }
0x1f: {  	[sflag:s9] =	ssyncset.done $0x0  }
0x20: {  	s2 =	simm.s32 $0x0;
	s0 =	simm.s32 $0x20;
	[sflag:s9] =	ssyncadd.s32 $0xFFFFFF00  }
.LBB2_2:
0x21: {  	v3 =	vld [tilespmem:s0+$0xFFFFFFE0];
	_ =	sdelay $0x4  }
0x22: {  	v4 =	vshll.u32 v3, $0x3  }
0x23: {  	v3 =	vand.u32 $0x7, v3;
	v4 =	vand.u32 $0xFFFFFFC0, v4  }
0x24: {  	v3 =	vor.u32 v3, v4  }
0x25: {  	v4 =	vperm.xlane v3, v0;
	_ =	sdelay $0x1  }
0x26: {  	v4 =	vadd.s32 v1, v4;
	_ =	sdelay $0x4  }
0x27: {  	[tilespmem:s10], [sflag:$0x1] =	stream.indirect_vreg.gather [hbm4b:s1+s3], $0x80, v4, vm0, $0xb8;
	[tilespmem:$0x10100] =	vst v63  }
0x28: {  	s4 =	rddreg [dreg:$0x5];
	v3 =	vperm.xlane v3, v2  }
0x29: {  	[tilespmem:s4], [sflag:$0x1] =	stream.indirect_vreg.gather [hbm4b:s5+s3], $0x80, v4, vm0, $0xb8;
	[tilespmem:$0x10100] =	vst v63  }
0x2a: {  	s8 =	rddreg [dreg:$0x6];
	v3 =	vadd.s32 v1, v3  }
0x2b: {  	[tilespmem:s8], [sflag:$0x1] =	stream.indirect_vreg.gather [hbm4b:s6+s3], $0x80, v4, vm0, $0xb8;
	[tilespmem:$0x10100] =	vst v63  }
0x2c: {  	s4 =	rddreg [dreg:$0x7]  }
0x2d: {  	[tilespmem:s4], [sflag:$0x1] =	stream.indirect_vreg.gather [hbm4b:s7+s3], $0x80, v4, vm0, $0xb8;
	[tilespmem:$0x10100] =	vst v63  }
0x2e: {  	s8 =	rddreg [dreg:$0x8]  }
0x2f: {  	[tilespmem:s8], [sflag:$0x1] =	stream.indirect_vreg.gather [hbm4b:s1+s3], $0x80, v3, vm0, $0xb8;
	[tilespmem:$0x10100] =	vst v63  }
0x30: {  	s4 =	rddreg [dreg:$0x9]  }
0x31: {  	[tilespmem:s4], [sflag:$0x1] =	stream.indirect_vreg.gather [hbm4b:s5+s3], $0x80, v3, vm0, $0xb8;
	[tilespmem:$0x10100] =	vst v63  }
0x32: {  	s8 =	rddreg [dreg:$0xa]  }
0x33: {  	[tilespmem:s8], [sflag:$0x1] =	stream.indirect_vreg.gather [hbm4b:s6+s3], $0x80, v3, vm0, $0xb8;
	[tilespmem:$0x10100] =	vst v63  }
0x34: {  	s4 =	rddreg [dreg:$0xb]  }
0x35: {  	[tilespmem:s4], [sflag:$0x1] =	stream.indirect_vreg.gather [hbm4b:s7+s3], $0x80, v3, vm0, $0xb8;
	[tilespmem:$0x10100] =	vst v63  }
0x36: {  	v3 =	vld [tilespmem:s0+$0xFFFFFFF0];
	_ =	sdelay $0x4  }
0x37: {  	v61 =	vshll.u32 v3, $0x3  }
0x38: {  	v3 =	vand.u32 $0x7, v3;
	v4 =	vand.u32 $0xFFFFFFC0, v61  }
0x39: {  	v3 =	vor.u32 v3, v4  }
0x3a: {  	v4 =	vperm.xlane v3, v0;
	_ =	sdelay $0x1  }
0x3b: {  	v4 =	vadd.s32 v1, v4;
	_ =	sdelay $0x3  }
0x3c: {  	s4 =	rddreg [dreg:$0xc]  }
0x3d: {  	[tilespmem:s4], [sflag:$0x1] =	stream.indirect_vreg.gather [hbm4b:s1+s3], $0x80, v4, vm0, $0xb8;
	[tilespmem:$0x10100] =	vst v63  }
0x3e: {  	s8 =	rddreg [dreg:$0xd];
	v3 =	vperm.xlane v3, v2  }
0x3f: {  	[tilespmem:s8], [sflag:$0x1] =	stream.indirect_vreg.gather [hbm4b:s5+s3], $0x80, v4, vm0, $0xb8;
	[tilespmem:$0x10100] =	vst v63  }
0x40: {  	v3 =	vadd.s32 v1, v3;
	s4 =	rddreg [dreg:$0xe]  }
0x41: {  	[tilespmem:s4], [sflag:$0x1] =	stream.indirect_vreg.gather [hbm4b:s6+s3], $0x80, v4, vm0, $0xb8;
	[tilespmem:$0x10100] =	vst v63  }
0x42: {  	s8 =	rddreg [dreg:$0xf]  }
0x43: {  	[tilespmem:s8], [sflag:$0x1] =	stream.indirect_vreg.gather [hbm4b:s7+s3], $0x80, v4, vm0, $0xb8;
	[tilespmem:$0x10100] =	vst v63  }
0x44: {  	s4 =	rddreg [dreg:$0x10]  }
0x45: {  	[tilespmem:s4], [sflag:$0x1] =	stream.indirect_vreg.gather [hbm4b:s1+s3], $0x80, v3, vm0, $0xb8;
	[tilespmem:$0x10100] =	vst v63  }
0x46: {  	s8 =	rddreg [dreg:$0x11]  }
0x47: {  	[tilespmem:s8], [sflag:$0x1] =	stream.indirect_vreg.gather [hbm4b:s5+s3], $0x80, v3, vm0, $0xb8;
	[tilespmem:$0x10100] =	vst v63  }
0x48: {  	_ = 	snop  }
0x49: {  	[tilespmem:s11], [sflag:$0x1] =	stream.indirect_vreg.gather [hbm4b:s6+s3], $0x80, v3, vm0, $0xb8;
	[tilespmem:$0x10100] =	vst v63  }
0x4a: {  	_ = 	snop  }
0x4b: {  	[tilespmem:s12], [sflag:$0x1] =	stream.indirect_vreg.gather [hbm4b:s7+s3], $0x80, v3, vm0, $0xb8;
	[tilespmem:$0x10100] =	vst v63  }
0x4c: {  	v3 =	vld [tilespmem:s0+$0x0];
	_ =	sdelay $0x4  }
0x4d: {  	v62 =	vshll.u32 v3, $0x3  }
0x4e: {  	v3 =	vand.u32 $0x7, v3;
	v4 =	vand.u32 $0xFFFFFFC0, v62  }
0x4f: {  	v3 =	vor.u32 v3, v4  }
0x50: {  	v4 =	vperm.xlane v3, v0;
	_ =	sdelay $0x1  }
0x51: {  	v4 =	vadd.s32 v1, v4;
	_ =	sdelay $0x4  }
0x52: {  	[tilespmem:s13], [sflag:$0x1] =	stream.indirect_vreg.gather [hbm4b:s1+s3], $0x80, v4, vm0, $0xb8;
	[tilespmem:$0x10100] =	vst v63  }
0x53: {  	v3 =	vperm.xlane v3, v2  }
0x54: {  	[tilespmem:s14], [sflag:$0x1] =	stream.indirect_vreg.gather [hbm4b:s5+s3], $0x80, v4, vm0, $0xb8;
	[tilespmem:$0x10100] =	vst v63  }
0x55: {  	v3 =	vadd.s32 v1, v3  }
0x56: {  	[tilespmem:s15], [sflag:$0x1] =	stream.indirect_vreg.gather [hbm4b:s6+s3], $0x80, v4, vm0, $0xb8;
	[tilespmem:$0x10100] =	vst v63  }
0x57: {  	_ = 	snop  }
0x58: {  	[tilespmem:s16], [sflag:$0x1] =	stream.indirect_vreg.gather [hbm4b:s7+s3], $0x80, v4, vm0, $0xb8;
	[tilespmem:$0x10100] =	vst v63  }
0x59: {  	_ = 	snop  }
0x5a: {  	[tilespmem:s17], [sflag:$0x1] =	stream.indirect_vreg.gather [hbm4b:s1+s3], $0x80, v3, vm0, $0xb8;
	[tilespmem:$0x10100] =	vst v63  }
0x5b: {  	_ = 	snop  }
0x5c: {  	[tilespmem:s18], [sflag:$0x1] =	stream.indirect_vreg.gather [hbm4b:s5+s3], $0x80, v3, vm0, $0xb8;
	[tilespmem:$0x10100] =	vst v63  }
0x5d: {  	_ = 	snop  }
0x5e: {  	[tilespmem:s19], [sflag:$0x1] =	stream.indirect_vreg.gather [hbm4b:s6+s3], $0x80, v3, vm0, $0xb8;
	[tilespmem:$0x10100] =	vst v63  }
0x5f: {  	_ = 	snop  }
0x60: {  	[tilespmem:s20], [sflag:$0x1] =	stream.indirect_vreg.gather [hbm4b:s7+s3], $0x80, v3, vm0, $0xb8;
	[tilespmem:$0x10100] =	vst v63  }
0x61: {  	v3 =	vld [tilespmem:s0+$0x10];
	_ =	sdelay $0x4  }
0x62: {  	v63 =	vshll.u32 v3, $0x3  }
0x63: {  	v3 =	vand.u32 $0x7, v3;
	v4 =	vand.u32 $0xFFFFFFC0, v63  }
0x64: {  	v3 =	vor.u32 v3, v4  }
0x65: {  	v4 =	vperm.xlane v3, v0;
	_ =	sdelay $0x1  }
0x66: {  	v4 =	vadd.s32 v1, v4;
	_ =	sdelay $0x4  }
0x67: {  	[tilespmem:s21], [sflag:$0x1] =	stream.indirect_vreg.gather [hbm4b:s1+s3], $0x80, v4, vm0, $0xb8;
	[tilespmem:$0x10100] =	vst v63  }
0x68: {  	v3 =	vperm.xlane v3, v2  }
0x69: {  	[tilespmem:s22], [sflag:$0x1] =	stream.indirect_vreg.gather [hbm4b:s5+s3], $0x80, v4, vm0, $0xb8;
	[tilespmem:$0x10100] =	vst v63  }
0x6a: {  	v3 =	vadd.s32 v1, v3  }
0x6b: {  	[tilespmem:s23], [sflag:$0x1] =	stream.indirect_vreg.gather [hbm4b:s6+s3], $0x80, v4, vm0, $0xb8;
	[tilespmem:$0x10100] =	vst v63  }
0x6c: {  	_ = 	snop  }
0x6d: {  	[tilespmem:s24], [sflag:$0x1] =	stream.indirect_vreg.gather [hbm4b:s7+s3], $0x80, v4, vm0, $0xb8;
	[tilespmem:$0x10100] =	vst v63  }
0x6e: {  	_ = 	snop  }
0x6f: {  	[tilespmem:s25], [sflag:$0x1] =	stream.indirect_vreg.gather [hbm4b:s1+s3], $0x80, v3, vm0, $0xb8;
	[tilespmem:$0x10100] =	vst v63  }
0x70: {  	_ = 	snop  }
0x71: {  	[tilespmem:s26], [sflag:$0x1] =	stream.indirect_vreg.gather [hbm4b:s5+s3], $0x80, v3, vm0, $0xb8;
	[tilespmem:$0x10100] =	vst v63  }
0x72: {  	_ = 	snop  }
0x73: {  	[tilespmem:s28], [sflag:$0x1] =	stream.indirect_vreg.gather [hbm4b:s6+s3], $0x80, v3, vm0, $0xb8;
	[tilespmem:$0x10100] =	vst v63  }
0x74: {  	_ = 	snop  }
0x75: {  	[tilespmem:s29], [sflag:$0x1] =	stream.indirect_vreg.gather [hbm4b:s7+s3], $0x80, v3, vm0, $0xb8;
	[tilespmem:$0x10100] =	vst v63  }
0x76: {  	_ =	swait.ge [sflag:s30], $0x10000  }
0x77: {  	p0 =	sne.s32 s2, $0x6000;
	s8 =	rddreg [dreg:$0x4];
	[sflag:s30] =	ssyncset.done $0x0  }
.Ltmp0:
0x78: {  	[sflag:s30] =	ssyncadd.s32 $0xFFFF0000;
	s4 =	sadd.s32 s2, s8;
	(pc) =	sbr.rel @p0 .LBB2_2-.Ltmp0, $4  }
0x79: {  	[hbm4b:s4+s3] =	stream.linear.scatter [tilespmem:s10], [sflag:$0x2], $0x10000, $0x38;
	[tilespmem:$0x10100] =	vst v63  }
0x7a: {  	_ =	swait.ge [sflag:s9], $0x10000  }
0x7b: {  	[sflag:s9] =	ssyncset.done $0x0  }
0x7c: {  	s0 =	sadd.s32 $0x40, s0;
	s2 =	sadd.s32 $0x2000, s2;
	[sflag:s9] =	ssyncadd.s32 $0xFFFF0000  }
0x7d: {  	s31 =	sadd.s32 $0x1, s31;
	s0 =	rddreg [dreg:$0x13]  }
0x7e: {  	p0 =	sne.s32 s31, s0  }
.Ltmp1:
0x7f: {  	_ = 	snop;
	(pc) =	sbr.rel @p0 .LBB2_1-.Ltmp1, $1  }
0x80: {  	_ =	sdelay $0x3  }
0x81: {  	_ =	sfence.sel $0x180000  }
0x82: {  	[bflag:$0x0] =	sbarrier.arrive $0xFFFF  }
0x83: {  	_ =	strace $0x90000047  }
0x84: {  	s0 =	stileid.u32;
	[bflag:$0x2] =	sbarrier.arrive $0xFFFF  }
0x85: {  	p0 =	sne.s32 s0, $0x0;
	s0 =	rddreg [dreg:$0x3]  }
0x86: {  	s0 =	sadd.s32 @!p0 $0x100000, s0  }
0x87: {  	[sflag:s0] =	ssyncadd.tile.s32 @!p0 $0x1;
	_ =	shalt  }
.Lfunc_end2:
_tile_overlayer_lowered:
.L_overlay_start_2:
0x88: {  	(tag) =	ssettag $0x2  }
0x89: {  	s0 =	rddreg [dreg:$0x0];
	s2 =	stileid.u32  }
0x8a: {  	s1 =	rddreg [dreg:$0x1];
	p0 =	sne.s32 s2, $0x0  }
0x8b: {  	s3 =	rddreg [dreg:$0x2];
	[bflag:$0x3] =	sbarrier.arrive $0xFFFF;
	s2 =	simm.s32 @!p0 $0x1C02  }
0x8c: {  	[timem:s3], [sflag:s2] =	dma.local @!p0 [hbm:s0], s1  }
0x8d: {  	s0 =	simm.s32 @!p0 $0x2  }
0x8e: {  	_ =	swait.ge @!p0 [sflag:s0], s1  }
0x8f: {  	s1 =	ssub.s32 @!p0 $0x0, s1;
	[sflag:s0] =	ssyncset.done @!p0 $0x0  }
0x90: {  	[sflag:s0] =	ssyncadd.s32 @!p0 s1  }
0x91: {  	[bflag:$0x3] =	sbarrier.arrive $0xFFFF  }
0x92: {  	_ =	shalt  }

// kernel: branch_1_fun.3.cloned.1.call-start
scs
__scs_entry_jumppad:
0x0: {  	(pc) =	sbr.rel $0x88, $3  }
0x1: {  	(tag) =	ssettag $0x0;
	lr =	simm.s32 $0x1  }
0x2: {  	[smem:$0x3F9F] =	sst lr;
	_ =	strace $0xD0000000  }
0x3: {  	_ = 	snop  }
0x4: {  	_ = 	snop  }
0x5: {  	_ = 	snop  }
0x6: {  	_ = 	snop  }
0x7: {  	_ = 	snop  }
__scs_overlays_trampoline_lowered:
0x8: {  	[smem:$0x3FAE] =	sst s0  }
0x9: {  	[smem:$0x3FAF] =	sst s1  }
0xa: {  	[smem:$0x3FB0] =	sst s2  }
0xb: {  	[smem:$0x3FB1] =	sst s3  }
0xc: {  	[smem:$0x3FB2] =	sst s4  }
0xd: {  	[smem:$0x3FB3] =	sst s5  }
0xe: {  	[smem:$0x3FB4] =	sst s6  }
0xf: {  	[smem:$0x3FB5] =	sst s7  }
0x10: {  	[smem:$0x3FB6] =	sst s8  }
0x11: {  	[smem:$0x3FB7] =	sst s9;
	s0 =	simm.s32 @!p0 $0x0  }
0x12: {  	s1 =	sld [smem:$0x3F9D];
	s0 =	simm.s32 @p0 $0x1  }
0x13: {  	[smem:$0x3FB8] =	sst s0;
	s0 =	simm.s32 @!p1 $0x0  }
0x14: {  	s2 =	sld [smem:$0x3F9C];
	s0 =	simm.s32 @p1 $0x1  }
0x15: {  	[smem:$0x3FB9] =	sst s0;
	s0 =	simm.s32 @!p2 $0x0  }
0x16: {  	s3 =	sld [smem:$0x3FDB];
	s0 =	simm.s32 @p2 $0x1  }
0x17: {  	s4 =	simm.s32 $0x1BF5;
	[smem:$0x3FBB] =	sst s0  }
0x18: {  	s0 =	sld [smem:$0x3F9E];
	_ =	swait.ge [sflag:s4], $0x0  }
0x19: {  	s7 =	sld [smem:$0x3F9F]  }
0x1a: {  	s8 =	sadd.s32 $0xFFFFE003, lr  }
0x1b: {  	s9 =	sadd.s32 $0xFFFFFEF7, lr;
	s5 =	simm.s32 $0xFFFFFFFF;
	p2 =	slt.u32 s8, $0xFFFFF086  }
0x1c: {  	p1 =	slt.u32 s9, $0xF7A;
	s5 =	simm.s32 @!p2 $0x0  }
0x1d: {  	s5 =	simm.s32 @p1 $0x1;
	p0 =	seq.s32 s7, s2  }
0x1e: {  	s7 =	smul.u32 @!p0 $0xF7A, s2;
	p2 =	seq.s32 @!p0 s5, $0x0  }
0x1f: {  	s9 =	smul.u32 $0xF7A, s1;
	s8 =	simm.s32 @!p0 $0x1BF5;
	p2 =	por !p2, p0  }
0x20: {  	[sflag:s8] =	ssyncset.s32 @!p0 $0xFFFFF086;
	s6 =	sadd.s32 @!p0 s3, s7;
	s7 =	simm.s32 @!p0 $0x108  }
0x21: {  	s3 =	sadd.s32 s3, s9;
	s6 =	sadd.s32 @!p0 $0x88, s6;
	s7 =	simm.s32 @p2 $0x1082  }
0x22: {  	[simem:s7], [sflag:s8] =	dma.local @!p0 [hbm:s6], $0xF7A  }
0x23: {  	s9 =	sor.u32 $0xD0000000, s2;
	s6 =	simm.s32 $0x108;
	_ =	swait.ge @!p0 [sflag:s8], $0x0  }
0x24: {  	s3 =	sadd.s32 $0x88, s3;
	s6 =	simm.s32 @!p1 $0x1082;
	[sflag:s4] =	ssyncset.s32 $0xFFFFF086  }
0x25: {  	[simem:s6], [sflag:s4] =	dma.local [hbm:s3], $0xF7A  }
0x26: {  	[smem:$0x3F9F] =	sst s1;
	(tag) =	ssettag s2;
	_ =	strace s9  }
0x27: {  	s1 =	sld [smem:$0x3FAF]  }
0x28: {  	s2 =	sld [smem:$0x3FB0]  }
0x29: {  	s4 =	sld [smem:$0x3FB2]  }
0x2a: {  	p0 =	seq.s32 s5, $0x0;
	s5 =	sld [smem:$0x3FB3]  }
0x2b: {  	s6 =	sld [smem:$0x3FB4]  }
0x2c: {  	s7 =	sld [smem:$0x3FB5]  }
0x2d: {  	s3 =	simm.s32 $0x108;
	s8 =	sld [smem:$0x3FB6]  }
0x2e: {  	s3 =	simm.s32 @!p0 $0x1082;
	s9 =	sld [smem:$0x3FB7]  }
0x2f: {  	lr =	sadd.s32 s0, s3;
	s0 =	sld [smem:$0x3FAE]  }
0x30: {  	s3 =	sld [smem:$0x3FB1]  }
0x31: {  	[smem:$0x3FBA] =	sst s10  }
0x32: {  	s10 =	sld [smem:$0x3FB8];
	_ =	sdelay $0x3  }
0x33: {  	p0 =	seq.s32 s10, $0x1;
	s10 =	sld [smem:$0x3FBA];
	_ =	sdelay $0x3  }
0x34: {  	[smem:$0x3FBA] =	sst s10  }
0x35: {  	s10 =	sld [smem:$0x3FB9];
	_ =	sdelay $0x3  }
0x36: {  	p1 =	seq.s32 s10, $0x1;
	s10 =	sld [smem:$0x3FBA];
	_ =	sdelay $0x3  }
0x37: {  	[smem:$0x3FBA] =	sst s10  }
0x38: {  	s10 =	sld [smem:$0x3FBB]  }
0x39: {  	_ = 	snop;
	(pc) =	sbr.ind lr, $3  }
0x3a: {  	_ = 	snop  }
0x3b: {  	_ = 	snop  }
0x3c: {  	p2 =	seq.s32 s10, $0x1;
	s10 =	sld [smem:$0x3FBA]  }
0x3d: {  	_ =	shalt  }
0x3e: {  	_ =	shalt  }
0x3f: {  	_ =	shalt  }
0x40: {  	_ =	shalt  }
0x41: {  	_ =	shalt  }
0x42: {  	_ =	shalt  }
0x43: {  	_ =	shalt  }
0x44: {  	_ =	shalt  }
0x45: {  	_ =	shalt  }
0x46: {  	_ =	shalt  }
0x47: {  	_ =	shalt  }
0x48: {  	_ =	shalt  }
0x49: {  	_ =	shalt  }
0x4a: {  	_ =	shalt  }
0x4b: {  	_ =	shalt  }
0x4c: {  	_ =	shalt  }
0x4d: {  	_ =	shalt  }
0x4e: {  	_ =	shalt  }
0x4f: {  	_ =	shalt  }
0x50: {  	_ =	shalt  }
0x51: {  	_ =	shalt  }
0x52: {  	_ =	shalt  }
0x53: {  	_ =	shalt  }
0x54: {  	_ =	shalt  }
0x55: {  	_ =	shalt  }
0x56: {  	_ =	shalt  }
0x57: {  	_ =	shalt  }
0x58: {  	_ =	shalt  }
0x59: {  	_ =	shalt  }
0x5a: {  	_ =	shalt  }
0x5b: {  	_ =	shalt  }
0x5c: {  	_ =	shalt  }
0x5d: {  	_ =	shalt  }
0x5e: {  	_ =	shalt  }
0x5f: {  	_ =	shalt  }
0x60: {  	_ =	shalt  }
0x61: {  	_ =	shalt  }
0x62: {  	_ =	shalt  }
0x63: {  	_ =	shalt  }
0x64: {  	_ =	shalt  }
0x65: {  	_ =	shalt  }
0x66: {  	_ =	shalt  }
0x67: {  	_ =	shalt  }
0x68: {  	_ =	shalt  }
0x69: {  	_ =	shalt  }
0x6a: {  	_ =	shalt  }
0x6b: {  	_ =	shalt  }
0x6c: {  	_ =	shalt  }
0x6d: {  	_ =	shalt  }
0x6e: {  	_ =	shalt  }
0x6f: {  	_ =	shalt  }
0x70: {  	_ =	shalt  }
0x71: {  	_ =	shalt  }
0x72: {  	_ =	shalt  }
0x73: {  	_ =	shalt  }
0x74: {  	_ =	shalt  }
0x75: {  	_ =	shalt  }
0x76: {  	_ =	shalt  }
0x77: {  	_ =	shalt  }
0x78: {  	_ =	shalt  }
0x79: {  	_ =	shalt  }
0x7a: {  	_ =	shalt  }
0x7b: {  	_ =	shalt  }
0x7c: {  	_ =	shalt  }
0x7d: {  	_ =	shalt  }
0x7e: {  	_ =	shalt  }
0x7f: {  	_ =	shalt  }
0x80: {  	_ =	shalt  }
0x81: {  	_ =	shalt  }
0x82: {  	_ =	shalt  }
0x83: {  	_ =	shalt  }
0x84: {  	_ =	shalt  }
0x85: {  	_ =	shalt  }
0x86: {  	_ =	shalt  }
0x87: {  	_ =	shalt  }
.Lfunc_end0:
.L_simem_size_0:
called_computation.1_lowered:
.L_overlay_start_0:
0x88: {  	s2 =	sld [smem:$0x3FD9]  }
0x89: {  	s3 =	sld [smem:$0x3FFE];
	_ =	sdelay $0x1  }
0x8a: {  	s1 =	srdreg.scid  }
0x8b: {  	s0 =	sand.u32 $0x1, s1  }
0x8c: {  	s18 =	sshll.u32 s0, $0xA;
	s2 =	sadd.s32 s3, s2  }
0x8d: {  	s2 =	sadd.s32 s2, s18  }
0x8e: {  	[smem:$0x3FC6] =	sst s2  }
0x8f: {  	_ = 	snop  }
0x90: {  	s2 =	sld [smem:$0x3FC8]  }
0x91: {  	s19 =	sld [smem:$0x3FD0];
	(tm) =	ssettm $0x1  }
0x92: {  	s4 =	sld [smem:$0x3FFB];
	_ =	sdelay $0x3  }
0x93: {  	_ =	strace s4  }
0x94: {  	s4 =	sld [smem:$0x3FFC];
	_ =	sdelay $0x3  }
0x95: {  	_ =	strace s4  }
0x96: {  	s4 =	sld [smem:$0x3FFD];
	_ =	sdelay $0x3  }
0x97: {  	_ =	strace s4  }
0x98: {  	_ =	strace $0x8FFFFFFF  }
0x99: {  	s20 =	sld [smem:$0x3FDB];
	_ =	sdelay $0x1  }
0x9a: {  	s5 =	simm.s32 $_scs_section_size  }
0x9b: {  	s6 =	simm.s32 $_size__tile_overlayer_lowered;
	s7 =	simm.s32 $_tile_overlayer_lowered  }
0x9c: {  	s23 =	simm.s32 $0x1BFF;
	s22 =	sshll.u32 s7, $0x1;
	s4 =	sadd.s32 s5, s20  }
0x9d: {  	s8 =	simm.s32 $0x0;
	s21 =	sshll.u32 s6, $0x1;
	s6 =	sadd.s32 s22, s4  }
0x9e: {  	[timem:s8], [sflag:s23] =	dma.local [hbm:s6], s21  }
0x9f: {  	_ =	swait.ge [sflag:s23], s21  }
0xa0: {  	s5 =	ssub.s32 $0x0, s21;
	[sflag:s23] =	ssyncset.done $0x0  }
0xa1: {  	[sflag:s23] =	ssyncadd.s32 s5;
	_ =	sdelay $0x1  }
0xa2: {  	s24 =	simm.s32 $0x1B8B  }
0xa3: {  	_ =	swait.ge [sflag:s24], $0x1  }
0xa4: {  	[sflag:s24] =	ssyncset.done $0x0  }
0xa5: {  	s25 =	simm.s32 $0x1B8E;
	[sflag:s24] =	ssyncadd.s32 $0xFFFFFFFF  }
0xa6: {  	s26 =	simm.s32 $execute0_lowered;
	[smem:$0x3FD2] =	sst s25  }
0xa7: {  	s5 =	sshll.u32 s26, $0x1;
	_ =	strace $0x80000049;
	[dreg:$0x1] =	wrdreg $0xFFFFFFFF  }
0xa8: {  	s28 =	simm.s32 $_size_execute0_lowered;
	s4 =	sadd.s32 s4, s5;
	[dreg:$0x0] =	wrdreg $0x0  }
0xa9: {  	s5 =	sshll.u32 s28, $0x1;
	[dreg:$0x2] =	wrdreg s4  }
0xaa: {  	[dreg:$0x3] =	wrdreg s5  }
0xab: {  	[dreg:$0x4] =	wrdreg $0xC0  }
0xac: {  	_ =	task [dreg:s8], $0x5FFFF  }
0xad: {  	[dreg:$0x1] =	wrdreg $0xFFFFFFFF  }
0xae: {  	[dreg:$0x0] =	wrdreg $0x60  }
0xaf: {  	[dreg:$0x2] =	wrdreg s2  }
0xb0: {  	[dreg:$0x3] =	wrdreg s19  }
0xb1: {  	[dreg:$0x4] =	wrdreg $0x0  }
0xb2: {  	[dreg:$0x5] =	wrdreg $0x9  }
0xb3: {  	_ =	task.clear_ibuf [dreg:s8], $0x6FFFF;
	_ =	strace $0x90000049  }
0xb4: {  	s29 =	simm.s32 $0x9;
	_ =	strace $0x8000004B  }
0xb5: {  	_ =	swait.ge [sflag:s29], $0x1  }
0xb6: {  	[sflag:s29] =	ssyncadd.s32 $0xFFFFFFFF  }
0xb7: {  	_ =	strace $0x9000004B  }
0xb8: {  	_ =	sfence  }
0xb9: {  	s30 =	sld [smem:$0x0];
	_ =	sdelay $0x2  }
0xba: {  	s31 =	sshll.u32 s1, $0xD;
	s1 =	sshrl.u32 s1, $0x2  }
0xbb: {  	s3 =	sand.u32 $0x4000, s31;
	s1 =	sadd.s32 s1, s30  }
0xbc: {  	s0 =	sor.u32 s3, s0;
	s1 =	sshll.u32 s1, $0x11  }
0xbd: {  	s0 =	sor.u32 s1, s0  }
0xbe: {  	s0 =	sadd.s32 $0x8F2B, s0  }
0xbf: {  	[sflag:s0] =	ssyncadd.remote.s32 $0x1  }
0xc0: {  	_ =	sfence.sel $0xFFFF  }
0xc1: {  	[dreg:$0x0] =	wrdreg $0xFFFFFFFF;
	(pc) =	sbr.abs _section_cstart, $3  }
0xc2: {  	[dreg:$0x1] =	wrdreg $0xFFFFFFFF  }
0xc3: {  	_ =	task.clear_ibuf [dreg:s8], $0x2FFFF;
	_ =	strace $0x9FFFFFFF  }
0xc4: {  	(tm) =	ssettm $0x7FFFFFFF  }
0xc5: {  	_ =	shalt  }
tec
execute0_lowered:
.L_overlay_start_1:
0x0: {  	(tag) =	ssettag $0x1  }
0x1: {  	s0 =	rddreg [dreg:$0x0]  }
0x2: {  	s3 =	rddreg [dreg:$0x1]  }
0x3: {  	s4 =	rddreg [dreg:$0x2]  }
0x4: {  	s30 =	rddreg [dreg:$0x3]  }
0x5: {  	s2 =	simm.s32 $0x0;
	s5 =	srdreg.scid;
	s1 =	stileid.u32  }
0x6: {  	p0 =	por $0x0, $0x0;
	[smem:$0x7FF] =	sst s2;
	s5 =	sand.u32 $0x1, s5  }
0x7: {  	s7 =	sshll.u32 s1, $0x10;
	s17 =	sshll.u32 s1, $0x6;
	s6 =	ssub.s32 $0x2, s5  }
0x8: {  	s5 =	sshll.u32 s5, $0xF;
	_ =	strace $0x8000004A;
	s12 =	sadd.s32 s7, s4  }
0x9: {  	s19 =	sor.u32 $0x1C01, s17;
	s4 =	simm.s32 $0x7;
	s8 =	sshrl.u32 s6, $0x1  }
0xa: {  	s5 =	sor.u32 s5, s7;
	s11 =	sadd.s32 $0x8000, s12;
	s7 =	simm.s32 $0x3  }
0xb: {  	s6 =	ssub.s32 s6, s8;
	s13 =	sadd.s32 s0, s5;
	s9 =	sor.u32 $0x1000, s5  }
0xc: {  	s10 =	sor.u32 $0x2000, s5;
	s16 =	sadd.s32 s3, s5;
	s18 =	sor.u32 $0x3000, s5  }
0xd: {  	s22 =	sor.u32 $0x4000, s5;
	s25 =	sor.u32 $0x5000, s5;
	s26 =	sor.u32 $0x6000, s5  }
0xe: {  	s28 =	sor.u32 $0x7000, s5;
	s11 =	sshrl.u32 s11, $0x3;
	[dreg:$0x4] =	wrdreg s13  }
0xf: {  	s14 =	sadd.s32 s0, s9;
	s15 =	sadd.s32 s0, s10;
	[dreg:$0x7] =	wrdreg s16  }
0x10: {  	s20 =	sadd.s32 s0, s18;
	s21 =	sadd.s32 s3, s9;
	s24 =	sadd.s32 s0, s22  }
0x11: {  	s23 =	sadd.s32 s3, s10;
	s16 =	sadd.s32 s3, s22;
	s8 =	sadd.s32 s0, s28  }
0x12: {  	s9 =	sadd.s32 s3, s25;
	s5 =	sadd.s32 s3, s26;
	s29 =	smax.u32 s6, $0x1  }
0x13: {  	s13 =	simm.s32 $0x10000;
	s22 =	simm.s32 $0x5;
	[dreg:$0x5] =	wrdreg s14  }
0x14: {  	s10 =	simm.s32 $0x18000;
	[dreg:$0x6] =	wrdreg s15;
	p1 =	sne.s32 s29, $0x1  }
.Ltmp0:
0x15: {  	s6 =	simm.s32 $0x8;
	[dreg:$0x8] =	wrdreg s20;
	(pc) =	sbr.rel @!p1 .LBB2_5-.Ltmp0, $4  }
0x16: {  	[dreg:$0x9] =	wrdreg s21;
	s20 =	sadd.s32 s0, s25;
	s21 =	sadd.s32 s3, s18  }
0x17: {  	s15 =	sadd.s32 s0, s26;
	s3 =	sadd.s32 s3, s28;
	s25 =	simm.s32 $0x1  }
0x18: {  	s18 =	simm.s32 $0x2;
	s14 =	simm.s32 $0x6;
	s31 =	sadd.s32 $0xFFFFFFFF, s29  }
0x19: {  	s26 =	sshrl.u32 s12, $0x3;
	s12 =	simm.s32 $0x4;
	s0 =	rddreg [dreg:$0x4]  }
0x1a: {  	[spmem:s26], [sflag:s19] =	dma.local [hbm:s0], $0x1000  }
0x1b: {  	s0 =	rddreg [dreg:$0x5]  }
0x1c: {  	[tilespmem:s13], [sflag:$0x5] =	stream.linear.gather [hbm4b:s0+s2], $0x8000, $0x38;
	v63 =	vld [tilespmem:$0x0]  }
0x1d: {  	_ =	swait.ge [sflag:s25], $0x1000  }
0x1e: {  	[sflag:s25] =	ssyncset.done $0x0  }
0x1f: {  	s28 =	sor.u32 $0x1C02, s17;
	s1 =	rddreg [dreg:$0x6];
	[sflag:s25] =	ssyncadd.s32 $0xFFFFF000  }
0x20: {  	[spmem:s11], [sflag:s28] =	dma.local [hbm:s1], $0x1000  }
0x21: {  	s29 =	sor.u32 $0x1C03, s17;
	s0 =	rddreg [dreg:$0x7]  }
0x22: {  	[hbm:s0], [sflag:s29] =	dma.local [spmem:s26], $0x1000  }
0x23: {  	_ =	swait.ge [sflag:s22], $0x8000  }
0x24: {  	[sflag:s22] =	ssyncset.done $0x0  }
0x25: {  	s1 =	rddreg [dreg:$0x8];
	[sflag:s22] =	ssyncadd.s32 $0xFFFF8000  }
0x26: {  	[tilespmem:s10], [sflag:$0x6] =	stream.linear.gather [hbm4b:s1+s2], $0x8000, $0x38;
	v63 =	vld [tilespmem:$0x0]  }
0x27: {  	s30 =	rddreg [dreg:$0x9]  }
0x28: {  	[hbm4b:s30+s2] =	stream.linear.scatter [tilespmem:s13], [sflag:$0x7], $0x8000, $0x38;
	v63 =	vld [tilespmem:$0x0]  }
0x29: {  	_ =	swait.ge [sflag:s18], $0x1000  }
0x2a: {  	[sflag:s18] =	ssyncset.done $0x0  }
0x2b: {  	[sflag:s18] =	ssyncadd.s32 $0xFFFFF000  }
0x2c: {  	_ =	swait.ge [sflag:s7], $0x1000  }
0x2d: {  	[sflag:s7] =	ssyncset.done $0x0  }
0x2e: {  	s30 =	sor.u32 $0x1C04, s17;
	[sflag:s7] =	ssyncadd.s32 $0xFFFFF000  }
0x2f: {  	[spmem:s26], [sflag:s19] =	dma.local [hbm:s24], $0x1000  }
0x30: {  	[hbm:s23], [sflag:s30] =	dma.local [spmem:s11], $0x1000  }
0x31: {  	_ =	swait.ge [sflag:s14], $0x8000  }
0x32: {  	[sflag:s14] =	ssyncset.done $0x0  }
0x33: {  	[sflag:s14] =	ssyncadd.s32 $0xFFFF8000  }
0x34: {  	_ =	swait.ge [sflag:s4], $0x8000  }
0x35: {  	[sflag:s4] =	ssyncset.done $0x0  }
0x36: {  	[sflag:s4] =	ssyncadd.s32 $0xFFFF8000  }
0x37: {  	[tilespmem:s13], [sflag:$0x5] =	stream.linear.gather [hbm4b:s20+s2], $0x8000, $0x38;
	v63 =	vld [tilespmem:$0x0]  }
0x38: {  	_ = 	snop  }
0x39: {  	[hbm4b:s21+s2] =	stream.linear.scatter [tilespmem:s10], [sflag:$0x8], $0x8000, $0x38;
	v63 =	vld [tilespmem:$0x0]  }
0x3a: {  	_ =	swait.ge [sflag:s25], $0x1000  }
0x3b: {  	[sflag:s25] =	ssyncset.done $0x0  }
0x3c: {  	[sflag:s25] =	ssyncadd.s32 $0xFFFFF000  }
0x3d: {  	_ =	swait.ge [sflag:s12], $0x1000  }
0x3e: {  	[sflag:s12] =	ssyncset.done $0x0  }
0x3f: {  	[sflag:s12] =	ssyncadd.s32 $0xFFFFF000  }
0x40: {  	[spmem:s11], [sflag:s28] =	dma.local [hbm:s15], $0x1000  }
0x41: {  	[hbm:s16], [sflag:s29] =	dma.local [spmem:s26], $0x1000  }
0x42: {  	_ =	swait.ge [sflag:s22], $0x8000  }
0x43: {  	[sflag:s22] =	ssyncset.done $0x0  }
0x44: {  	[sflag:s22] =	ssyncadd.s32 $0xFFFF8000  }
0x45: {  	_ =	swait.ge [sflag:s6], $0x8000  }
0x46: {  	[sflag:s6] =	ssyncset.done $0x0  }
0x47: {  	[sflag:s6] =	ssyncadd.s32 $0xFFFF8000  }
0x48: {  	[tilespmem:s10], [sflag:$0x6] =	stream.linear.gather [hbm4b:s8+s2], $0x8000, $0x38;
	v63 =	vld [tilespmem:$0x0]  }
0x49: {  	_ = 	snop  }
0x4a: {  	[hbm4b:s9+s2] =	stream.linear.scatter [tilespmem:s13], [sflag:$0x7], $0x8000, $0x38;
	v63 =	vld [tilespmem:$0x0]  }
0x4b: {  	_ =	swait.ge [sflag:s18], $0x1000  }
0x4c: {  	[sflag:s18] =	ssyncset.done $0x0  }
0x4d: {  	[sflag:s18] =	ssyncadd.s32 $0xFFFFF000  }
0x4e: {  	[hbm:s5], [sflag:s30] =	dma.local [spmem:s11], $0x1000  }
0x4f: {  	_ =	swait.ge [sflag:s14], $0x8000  }
0x50: {  	[sflag:s14] =	ssyncset.done $0x0  }
0x51: {  	[sflag:s14] =	ssyncadd.s32 $0xFFFF8000  }
0x52: {  	[hbm4b:s3+s2] =	stream.linear.scatter [tilespmem:s10], [sflag:$0x8], $0x8000, $0x38;
	v63 =	vld [tilespmem:$0x0]  }
0x53: {  	_ =	swait.ge [sflag:s7], $0x1000  }
0x54: {  	[sflag:s7] =	ssyncset.done $0x0  }
0x55: {  	[sflag:s7] =	ssyncadd.s32 $0xFFFFF000  }
0x56: {  	_ =	swait.ge [sflag:s12], $0x1000  }
0x57: {  	[sflag:s12] =	ssyncset.done $0x0  }
0x58: {  	p1 =	sne.s32 s31, $0x1;
	[sflag:s12] =	ssyncadd.s32 $0xFFFFF000  }
.Ltmp1:
0x59: {  	_ =	swait.ge [sflag:s4], $0x8000;
	(pc) =	sbr.rel @!p1 .LBB2_2-.Ltmp1, $4  }
0x5a: {  	[sflag:s4] =	ssyncset.done $0x0  }
0x5b: {  	[sflag:s4] =	ssyncadd.s32 $0xFFFF8000  }
0x5c: {  	s31 =	sadd.s32 $0xFFFFFFFF, s31;
	_ =	swait.ge [sflag:s6], $0x8000  }
0x5d: {  	p0 =	por $0x1, $0x1;
	s0 =	rddreg [dreg:$0x4];
	[sflag:s6] =	ssyncset.done $0x0  }
.LBB2_3:
0x5e: {  	[sflag:s6] =	ssyncadd.s32 $0xFFFF8000  }
0x5f: {  	[spmem:s26], [sflag:s19] =	dma.local [hbm:s0], $0x1000  }
0x60: {  	s0 =	rddreg [dreg:$0x5]  }
0x61: {  	[tilespmem:s13], [sflag:$0x5] =	stream.linear.gather [hbm4b:s0+s2], $0x8000, $0x38;
	v63 =	vld [tilespmem:$0x0]  }
0x62: {  	_ =	swait.ge [sflag:s25], $0x1000  }
0x63: {  	[sflag:s25] =	ssyncset.done $0x0  }
0x64: {  	s1 =	rddreg [dreg:$0x6];
	[sflag:s25] =	ssyncadd.s32 $0xFFFFF000  }
0x65: {  	[spmem:s11], [sflag:s28] =	dma.local [hbm:s1], $0x1000  }
0x66: {  	s0 =	rddreg [dreg:$0x7]  }
0x67: {  	[hbm:s0], [sflag:s29] =	dma.local [spmem:s26], $0x1000  }
0x68: {  	_ =	swait.ge [sflag:s22], $0x8000  }
0x69: {  	[sflag:s22] =	ssyncset.done $0x0  }
0x6a: {  	s0 =	rddreg [dreg:$0x8];
	[sflag:s22] =	ssyncadd.s32 $0xFFFF8000  }
0x6b: {  	[tilespmem:s10], [sflag:$0x6] =	stream.linear.gather [hbm4b:s0+s2], $0x8000, $0x38;
	v63 =	vld [tilespmem:$0x0]  }
0x6c: {  	s1 =	rddreg [dreg:$0x9]  }
0x6d: {  	[hbm4b:s1+s2] =	stream.linear.scatter [tilespmem:s13], [sflag:$0x7], $0x8000, $0x38;
	v63 =	vld [tilespmem:$0x0]  }
0x6e: {  	_ =	swait.ge [sflag:s18], $0x1000  }
0x6f: {  	[sflag:s18] =	ssyncset.done $0x0  }
0x70: {  	[sflag:s18] =	ssyncadd.s32 $0xFFFFF000  }
0x71: {  	_ =	swait.ge [sflag:s7], $0x1000  }
0x72: {  	[sflag:s7] =	ssyncset.done $0x0  }
0x73: {  	[sflag:s7] =	ssyncadd.s32 $0xFFFFF000  }
0x74: {  	[spmem:s26], [sflag:s19] =	dma.local [hbm:s24], $0x1000  }
0x75: {  	[hbm:s23], [sflag:s30] =	dma.local [spmem:s11], $0x1000  }
0x76: {  	_ =	swait.ge [sflag:s14], $0x8000  }
0x77: {  	[sflag:s14] =	ssyncset.done $0x0  }
0x78: {  	[sflag:s14] =	ssyncadd.s32 $0xFFFF8000  }
0x79: {  	_ =	swait.ge [sflag:s4], $0x8000  }
0x7a: {  	[sflag:s4] =	ssyncset.done $0x0  }
0x7b: {  	[sflag:s4] =	ssyncadd.s32 $0xFFFF8000  }
0x7c: {  	[tilespmem:s13], [sflag:$0x5] =	stream.linear.gather [hbm4b:s20+s2], $0x8000, $0x38;
	v63 =	vld [tilespmem:$0x0]  }
0x7d: {  	_ = 	snop  }
0x7e: {  	[hbm4b:s21+s2] =	stream.linear.scatter [tilespmem:s10], [sflag:$0x8], $0x8000, $0x38;
	v63 =	vld [tilespmem:$0x0]  }
0x7f: {  	_ =	swait.ge [sflag:s25], $0x1000  }
0x80: {  	[sflag:s25] =	ssyncset.done $0x0  }
0x81: {  	[sflag:s25] =	ssyncadd.s32 $0xFFFFF000  }
0x82: {  	_ =	swait.ge [sflag:s12], $0x1000  }
0x83: {  	[sflag:s12] =	ssyncset.done $0x0  }
0x84: {  	[sflag:s12] =	ssyncadd.s32 $0xFFFFF000  }
0x85: {  	[spmem:s11], [sflag:s28] =	dma.local [hbm:s15], $0x1000  }
0x86: {  	[hbm:s16], [sflag:s29] =	dma.local [spmem:s26], $0x1000  }
0x87: {  	_ =	swait.ge [sflag:s22], $0x8000  }
0x88: {  	[sflag:s22] =	ssyncset.done $0x0  }
0x89: {  	[sflag:s22] =	ssyncadd.s32 $0xFFFF8000  }
0x8a: {  	_ =	swait.ge [sflag:s6], $0x8000  }
0x8b: {  	[sflag:s6] =	ssyncset.done $0x0  }
0x8c: {  	[sflag:s6] =	ssyncadd.s32 $0xFFFF8000  }
0x8d: {  	[tilespmem:s10], [sflag:$0x6] =	stream.linear.gather [hbm4b:s8+s2], $0x8000, $0x38;
	v63 =	vld [tilespmem:$0x0]  }
0x8e: {  	_ = 	snop  }
0x8f: {  	[hbm4b:s9+s2] =	stream.linear.scatter [tilespmem:s13], [sflag:$0x7], $0x8000, $0x38;
	v63 =	vld [tilespmem:$0x0]  }
0x90: {  	_ =	swait.ge [sflag:s18], $0x1000  }
0x91: {  	[sflag:s18] =	ssyncset.done $0x0  }
0x92: {  	[sflag:s18] =	ssyncadd.s32 $0xFFFFF000  }
0x93: {  	[hbm:s5], [sflag:s30] =	dma.local [spmem:s11], $0x1000  }
0x94: {  	_ =	swait.ge [sflag:s14], $0x8000  }
0x95: {  	[sflag:s14] =	ssyncset.done $0x0  }
0x96: {  	[sflag:s14] =	ssyncadd.s32 $0xFFFF8000  }
0x97: {  	[hbm4b:s3+s2] =	stream.linear.scatter [tilespmem:s10], [sflag:$0x8], $0x8000, $0x38;
	v63 =	vld [tilespmem:$0x0]  }
0x98: {  	_ =	swait.ge [sflag:s7], $0x1000  }
0x99: {  	[sflag:s7] =	ssyncset.done $0x0  }
0x9a: {  	[sflag:s7] =	ssyncadd.s32 $0xFFFFF000  }
0x9b: {  	_ =	swait.ge [sflag:s12], $0x1000  }
0x9c: {  	[sflag:s12] =	ssyncset.done $0x0  }
0x9d: {  	p1 =	sne.s32 s31, $0x1;
	[sflag:s12] =	ssyncadd.s32 $0xFFFFF000  }
.Ltmp2:
0x9e: {  	_ =	swait.ge [sflag:s4], $0x8000;
	(pc) =	sbr.rel @p1 .LBB2_3-.Ltmp2, $4  }
0x9f: {  	[sflag:s4] =	ssyncset.done $0x0  }
0xa0: {  	[sflag:s4] =	ssyncadd.s32 $0xFFFF8000  }
0xa1: {  	_ =	swait.ge [sflag:s6], $0x8000  }
0xa2: {  	s31 =	sadd.s32 $0xFFFFFFFF, s31;
	s0 =	rddreg [dreg:$0x4];
	[sflag:s6] =	ssyncset.done $0x0  }
0xa3: {  	s30 =	rddreg [dreg:$0x3]  }
.LBB2_5:
0xa4: {  	[sflag:s6] =	ssyncadd.s32 @p0 $0xFFFF8000  }
0xa5: {  	[spmem:s26], [sflag:s19] =	dma.local [hbm:s0], $0x1000  }
0xa6: {  	s0 =	rddreg [dreg:$0x5]  }
0xa7: {  	[tilespmem:s13], [sflag:$0x5] =	stream.linear.gather [hbm4b:s0+s2], $0x8000, $0x38;
	v63 =	vld [tilespmem:$0x0]  }
0xa8: {  	_ =	swait.ge [sflag:s25], $0x1000  }
0xa9: {  	[sflag:s25] =	ssyncset.done $0x0  }
0xaa: {  	s1 =	sor.u32 $0x1C02, s17;
	s29 =	rddreg [dreg:$0x6];
	[sflag:s25] =	ssyncadd.s32 $0xFFFFF000  }
0xab: {  	[spmem:s11], [sflag:s1] =	dma.local [hbm:s29], $0x1000  }
0xac: {  	s28 =	sor.u32 $0x1C03, s17;
	s0 =	rddreg [dreg:$0x7]  }
0xad: {  	[hbm:s0], [sflag:s28] =	dma.local [spmem:s26], $0x1000  }
0xae: {  	_ =	swait.ge [sflag:s22], $0x8000  }
0xaf: {  	[sflag:s22] =	ssyncset.done $0x0  }
0xb0: {  	s31 =	rddreg [dreg:$0x8];
	[sflag:s22] =	ssyncadd.s32 $0xFFFF8000  }
0xb1: {  	[tilespmem:s10], [sflag:$0x6] =	stream.linear.gather [hbm4b:s31+s2], $0x8000, $0x38;
	v63 =	vld [tilespmem:$0x0]  }
0xb2: {  	s29 =	rddreg [dreg:$0x9]  }
0xb3: {  	[hbm4b:s29+s2] =	stream.linear.scatter [tilespmem:s13], [sflag:$0x7], $0x8000, $0x38;
	v63 =	vld [tilespmem:$0x0]  }
0xb4: {  	_ =	swait.ge [sflag:s18], $0x1000  }
0xb5: {  	[sflag:s18] =	ssyncset.done $0x0  }
0xb6: {  	[sflag:s18] =	ssyncadd.s32 $0xFFFFF000  }
0xb7: {  	_ =	swait.ge [sflag:s7], $0x1000  }
0xb8: {  	[sflag:s7] =	ssyncset.done $0x0  }
0xb9: {  	s29 =	sor.u32 $0x1C04, s17;
	[sflag:s7] =	ssyncadd.s32 $0xFFFFF000  }
0xba: {  	[spmem:s26], [sflag:s19] =	dma.local [hbm:s24], $0x1000  }
0xbb: {  	[hbm:s23], [sflag:s29] =	dma.local [spmem:s11], $0x1000  }
0xbc: {  	_ =	swait.ge [sflag:s14], $0x8000  }
0xbd: {  	[sflag:s14] =	ssyncset.done $0x0  }
0xbe: {  	[sflag:s14] =	ssyncadd.s32 $0xFFFF8000  }
0xbf: {  	_ =	swait.ge [sflag:s4], $0x8000  }
0xc0: {  	[sflag:s4] =	ssyncset.done $0x0  }
0xc1: {  	[sflag:s4] =	ssyncadd.s32 $0xFFFF8000  }
0xc2: {  	[tilespmem:s13], [sflag:$0x5] =	stream.linear.gather [hbm4b:s20+s2], $0x8000, $0x38;
	v63 =	vld [tilespmem:$0x0]  }
0xc3: {  	_ = 	snop  }
0xc4: {  	[hbm4b:s21+s2] =	stream.linear.scatter [tilespmem:s10], [sflag:$0x8], $0x8000, $0x38;
	v63 =	vld [tilespmem:$0x0]  }
0xc5: {  	_ =	swait.ge [sflag:s25], $0x1000  }
0xc6: {  	[sflag:s25] =	ssyncset.done $0x0  }
0xc7: {  	[sflag:s25] =	ssyncadd.s32 $0xFFFFF000  }
0xc8: {  	_ =	swait.ge [sflag:s12], $0x1000  }
0xc9: {  	[sflag:s12] =	ssyncset.done $0x0  }
0xca: {  	[sflag:s12] =	ssyncadd.s32 $0xFFFFF000  }
0xcb: {  	[spmem:s11], [sflag:s1] =	dma.local [hbm:s15], $0x1000  }
0xcc: {  	[hbm:s16], [sflag:s28] =	dma.local [spmem:s26], $0x1000  }
0xcd: {  	_ =	swait.ge [sflag:s22], $0x8000  }
0xce: {  	[sflag:s22] =	ssyncset.done $0x0  }
0xcf: {  	[sflag:s22] =	ssyncadd.s32 $0xFFFF8000  }
0xd0: {  	_ =	swait.ge [sflag:s6], $0x8000  }
0xd1: {  	[sflag:s6] =	ssyncset.done $0x0  }
0xd2: {  	[sflag:s6] =	ssyncadd.s32 $0xFFFF8000  }
0xd3: {  	[tilespmem:s10], [sflag:$0x6] =	stream.linear.gather [hbm4b:s8+s2], $0x8000, $0x38;
	v63 =	vld [tilespmem:$0x0]  }
0xd4: {  	_ = 	snop  }
0xd5: {  	[hbm4b:s9+s2] =	stream.linear.scatter [tilespmem:s13], [sflag:$0x7], $0x8000, $0x38;
	v63 =	vld [tilespmem:$0x0]  }
0xd6: {  	_ =	swait.ge [sflag:s18], $0x1000  }
0xd7: {  	[sflag:s18] =	ssyncset.done $0x0  }
0xd8: {  	[sflag:s18] =	ssyncadd.s32 $0xFFFFF000  }
0xd9: {  	[hbm:s5], [sflag:s29] =	dma.local [spmem:s11], $0x1000  }
0xda: {  	_ =	swait.ge [sflag:s14], $0x8000  }
0xdb: {  	[sflag:s14] =	ssyncset.done $0x0  }
0xdc: {  	[sflag:s14] =	ssyncadd.s32 $0xFFFF8000  }
0xdd: {  	[hbm4b:s3+s2] =	stream.linear.scatter [tilespmem:s10], [sflag:$0x8], $0x8000, $0x38;
	v63 =	vld [tilespmem:$0x0]  }
0xde: {  	_ =	swait.ge [sflag:s7], $0x1000  }
0xdf: {  	[sflag:s7] =	ssyncset.done $0x0  }
0xe0: {  	[sflag:s7] =	ssyncadd.s32 $0xFFFFF000  }
0xe1: {  	_ =	swait.ge [sflag:s12], $0x1000  }
0xe2: {  	[sflag:s12] =	ssyncset.done $0x0  }
0xe3: {  	[sflag:s12] =	ssyncadd.s32 $0xFFFFF000  }
0xe4: {  	_ =	swait.ge [sflag:s4], $0x8000  }
0xe5: {  	[sflag:s4] =	ssyncset.done $0x0  }
0xe6: {  	[sflag:s4] =	ssyncadd.s32 $0xFFFF8000  }
0xe7: {  	_ =	swait.ge [sflag:s6], $0x8000  }
0xe8: {  	[sflag:s6] =	ssyncset.done $0x0  }
0xe9: {  	[sflag:s6] =	ssyncadd.s32 $0xFFFF8000  }
0xea: {  	_ =	sfence.sel $0x180000  }
0xeb: {  	s31 =	stileid.u32;
	[bflag:$0x0] =	sbarrier.arrive $0xFFFF  }
0xec: {  	p0 =	sne.s32 s31, $0x0;
	_ =	strace $0x9000004A  }
0xed: {  	s0 =	sadd.s32 @!p0 $0x100000, s30;
	[bflag:$0x2] =	sbarrier.arrive $0xFFFF  }
0xee: {  	[sflag:s0] =	ssyncadd.tile.s32 @!p0 $0x1;
	_ =	shalt  }
.LBB2_2:
.Ltmp3:
0xef: {  	(pc) =	sbr.rel .LBB2_5-.Ltmp3, $2  }
0xf0: {  	_ =	sdelay $0x2  }
0xf1: {  	s30 =	rddreg [dreg:$0x3]  }
.Lfunc_end2:
_tile_overlayer_lowered:
.L_overlay_start_2:
0xf2: {  	(tag) =	ssettag $0x2  }
0xf3: {  	s0 =	rddreg [dreg:$0x0];
	s2 =	stileid.u32  }
0xf4: {  	s1 =	rddreg [dreg:$0x1];
	p0 =	sne.s32 s2, $0x0  }
0xf5: {  	s3 =	rddreg [dreg:$0x2];
	[bflag:$0x3] =	sbarrier.arrive $0xFFFF;
	s2 =	simm.s32 @!p0 $0x1C09  }
0xf6: {  	[timem:s3], [sflag:s2] =	dma.local @!p0 [hbm:s0], s1  }
0xf7: {  	s0 =	simm.s32 @!p0 $0x9  }
0xf8: {  	_ =	swait.ge @!p0 [sflag:s0], s1  }
0xf9: {  	s1 =	ssub.s32 @!p0 $0x0, s1;
	[sflag:s0] =	ssyncset.done @!p0 $0x0  }
0xfa: {  	[sflag:s0] =	ssyncadd.s32 @!p0 s1  }
0xfb: {  	[bflag:$0x3] =	sbarrier.arrive $0xFFFF  }
0xfc: {  	_ =	shalt  }

</sc_bundles>
